<compile_context>
chip_gen: v7x
topology: tpu7x:2x2x1
jax: 0.10.2.dev20260603
libtpu: 0.0.44.dev20260713+nightly
codegen_flags: <defaults>
</compile_context>

<pallas_src>
import jax
import jax.numpy as jnp
from jax import lax
from jax.experimental import pallas as pl
from jax.experimental.pallas import tpu as pltpu, tpu_sc as plsc

_N = 65536
_C = 32
_HG, _WG = 176, 608
_G = _HG * _WG
_GP = 107520
_CHUNK = _GP // 16
_TH = 8
_NT = _HG // _TH
_HP, _WP = 192, 612



def _sc_body(mcC):
    mc = mcC * 128

    def body(fpad_hbm, nbr_hbm, gidx_hbm, zeros_hbm, ones_hbm,
             outg, outm, fpad_v, nbr_v, gidx_v, f0c, ones_v, zbuf,
             shared_g, shared_m):
        cid = lax.axis_index("c")
        sid = lax.axis_index("s")
        wid = cid * 16 + sid
        off = sid * _CHUNK

        pltpu.sync_copy(zeros_hbm, zbuf)
        pltpu.sync_copy(zbuf, shared_g.at[pl.ds(off, _CHUNK)])
        pltpu.sync_copy(zbuf, shared_m.at[pl.ds(off, _CHUNK)])
        pltpu.sync_copy(fpad_hbm, fpad_v)
        pltpu.sync_copy(nbr_hbm.at[wid], nbr_v)
        pltpu.sync_copy(gidx_hbm.at[wid], gidx_v)
        pltpu.sync_copy(ones_hbm, ones_v)
        plsc.subcore_barrier()

        def chunk(c, carry):
            cbase = pl.multiple_of(c * 128, 128)
            for i in range(8):
                acc = plsc.load_gather(
                    fpad_v, [nbr_v[pl.ds(cbase + i * 16, 16)]])
                for k in range(1, 9):
                    acc = jnp.maximum(acc, plsc.load_gather(
                        fpad_v, [nbr_v[pl.ds(cbase + k * mc + i * 16, 16)]]))
                f0c[pl.ds(i * 16, 16)] = acc
            pltpu.sync_copy(f0c, shared_g.at[gidx_v.at[c]], add=True)
            pltpu.sync_copy(ones_v, shared_m.at[gidx_v.at[c]], add=True)
            return carry

        lax.fori_loop(0, mcC, chunk, 0)
        plsc.subcore_barrier()

        base = cid * _GP + off
        pltpu.sync_copy(shared_g.at[pl.ds(off, _CHUNK)], zbuf)
        pltpu.sync_copy(zbuf, outg.at[pl.ds(base, _CHUNK)])
        pltpu.sync_copy(shared_m.at[pl.ds(off, _CHUNK)], zbuf)
        pltpu.sync_copy(zbuf, outm.at[pl.ds(base, _CHUNK)])

    return body


def _sc_densify(fpad, nbr, gidx, mcC):
    k = pl.kernel(
        _sc_body(mcC),
        out_type=(jax.ShapeDtypeStruct((2 * _GP,), jnp.float32),
                  jax.ShapeDtypeStruct((2 * _GP,), jnp.float32)),
        mesh=plsc.VectorSubcoreMesh(core_axis_name="c", subcore_axis_name="s"),
        compiler_params=pltpu.CompilerParams(needs_layout_passes=False),
        scratch_types=[
            pltpu.VMEM((_N + 8,), jnp.float32),
            pltpu.VMEM((9 * mcC * 128,), jnp.int32),
            pltpu.VMEM((mcC, 128), jnp.int32),
            pltpu.VMEM((128,), jnp.float32),
            pltpu.VMEM((128,), jnp.float32),
            pltpu.VMEM((_CHUNK,), jnp.float32),
            pltpu.VMEM_SHARED((_GP,), jnp.float32),
            pltpu.VMEM_SHARED((_GP,), jnp.float32),
        ],
    )
    zeros_src = jnp.zeros((_CHUNK,), jnp.float32)
    ones_src = jnp.ones((128,), jnp.float32)
    return k(fpad, nbr, gidx, zeros_src, ones_src)



_BIG = 1e30
_ROWS = _TH * _WG


def _k1_body(t_ref, m8_ref, w_ref, o_ref, st_ref):
    i = pl.program_id(0)
    t = t_ref[...]
    acc = jnp.dot(t, w_ref[...], preferred_element_type=jnp.float32)
    mcol = jnp.max(m8_ref[...], axis=1, keepdims=True)

    @pl.when(i == 0)
    def _():
        st_ref[...] = jnp.zeros_like(st_ref)

    om = acc * mcol
    st_ref[0:1, :] += jnp.sum(om, axis=0, keepdims=True)
    st_ref[1:2, :] += jnp.sum(om * acc, axis=0, keepdims=True)
    o_ref[...] = acc * mcol + (mcol - 1.0) * _BIG


def _conv1(taps, m8, wcat):
    r1 = _G // 44
    return pl.pallas_call(
        _k1_body,
        grid=(44,),
        in_specs=[
            pl.BlockSpec((r1, 25), lambda i: (i, 0)),
            pl.BlockSpec((r1, 8), lambda i: (i, 0)),
            pl.BlockSpec((25, 160), lambda i: (0, 0)),
        ],
        out_specs=[
            pl.BlockSpec((r1, 160), lambda i: (i, 0)),
            pl.BlockSpec((8, 160), lambda i: (0, 0)),
        ],
        out_shape=[
            jax.ShapeDtypeStruct((_G, 160), jnp.float32),
            jax.ShapeDtypeStruct((8, 160), jnp.float32),
        ],
    )(taps, m8, wcat)


def _mk_conv_body(cout, with_mask, with_add, with_stats, encode):
    def body(*refs):
        xA, xB, w_ref, s_ref, t_ref = refs[:5]
        idx = 5
        if with_mask:
            m8 = refs[idx]; idx += 1
        if with_add:
            add2 = refs[idx]; idx += 1
        o = refs[idx]; idx += 1
        if with_stats:
            st = refs[idx]; idx += 1

        i = pl.program_id(0)
        win = jnp.concatenate([xA[...], xB[...]], axis=0)
        h = jnp.maximum(win * s_ref[...] + t_ref[...], 0.0)
        acc = jnp.zeros((_ROWS, cout), jnp.float32)
        for dy in range(5):
            hs = jnp.concatenate(
                [h[dy:dy + _TH, dx:dx + _WG, :] for dx in range(5)],
                axis=2).reshape(_ROWS, 320).astype(jnp.bfloat16)
            acc = acc + jnp.dot(hs, w_ref[dy],
                                preferred_element_type=jnp.float32)
        if with_add:
            acc = acc + add2[...]
        if with_mask:
            mcol = jnp.max(m8[...], axis=1, keepdims=True)
        if with_stats:
            @pl.when(i == 0)
            def _():
                st[...] = jnp.zeros_like(st)
            om = acc * mcol
            st[0:1, :] += jnp.sum(om, axis=0, keepdims=True)
            st[1:2, :] += jnp.sum(om * acc, axis=0, keepdims=True)
        if encode:
            acc = acc * mcol + (mcol - 1.0) * _BIG
        o[...] = acc

    return body


def _conv(xp, w, s, t, cout, m8=None, add=None, stats=False, encode=False):
    in_specs = [
        pl.BlockSpec((_TH, _WP, 64), lambda i: (i, 0, 0)),
        pl.BlockSpec((_TH, _WP, 64), lambda i: (i + 1, 0, 0)),
        pl.BlockSpec((5, 320, cout), lambda i: (0, 0, 0)),
        pl.BlockSpec((1, 1, 64), lambda i: (0, 0, 0)),
        pl.BlockSpec((1, 1, 64), lambda i: (0, 0, 0)),
    ]
    args = [xp, xp, w.reshape(5, 320, cout).astype(jnp.bfloat16),
            s.reshape(1, 1, 64), t.reshape(1, 1, 64)]
    if m8 is not None:
        in_specs.append(pl.BlockSpec((_ROWS, 8), lambda i: (i, 0)))
        args.append(m8)
    if add is not None:
        in_specs.append(pl.BlockSpec((_ROWS, cout), lambda i: (i, 0)))
        args.append(add)
    out_specs = [pl.BlockSpec((_ROWS, cout), lambda i: (i, 0))]
    out_shape = [jax.ShapeDtypeStruct((_G, cout), jnp.float32)]
    if stats:
        out_specs.append(pl.BlockSpec((8, cout), lambda i: (0, 0)))
        out_shape.append(jax.ShapeDtypeStruct((8, cout), jnp.float32))
    res = pl.pallas_call(
        _mk_conv_body(cout, m8 is not None, add is not None, stats, encode),
        grid=(_NT,),
        in_specs=in_specs,
        out_specs=out_specs,
        out_shape=out_shape,
    )(*args)
    return res if stats else res[0]


def _k4_body(z_ref, s_ref, t_ref, y_ref):
    y_ref[...] = jnp.maximum(z_ref[...] * s_ref[...] + t_ref[...], 0.0)


def _finish(qz, s, t):
    return pl.pallas_call(
        _k4_body,
        grid=(_NT,),
        in_specs=[
            pl.BlockSpec((_ROWS, _C), lambda i: (i, 0)),
            pl.BlockSpec((1, _C), lambda i: (0, 0)),
            pl.BlockSpec((1, _C), lambda i: (0, 0)),
        ],
        out_specs=pl.BlockSpec((_ROWS, _C), lambda i: (i, 0)),
        out_shape=jax.ShapeDtypeStruct((_G, _C), jnp.float32),
    )(qz, s.reshape(1, _C), t.reshape(1, _C))


def _pad_q(x2d, c):
    x = x2d.reshape(_HG, _WG, c)
    return jnp.pad(x, ((2, _HP - _HG - 2), (2, _WP - _WG - 2), (0, 0)),
                   constant_values=-1e30)


def _fold_bn(st, g, b, m_count):
    mean = st[0] / m_count
    var = st[1] / m_count - mean * mean
    inv = g / jnp.sqrt(var + 1e-5)
    return inv.astype(jnp.float32), (b - mean * inv).astype(jnp.float32)


def kernel(feats, W1, W2a, g2a, b2a, W2b, W3a, g3a, b3a, W3b, g3b, b3b, W3c,
           gf, bf, nbr_pool, nbr5, cells):
    M = nbr_pool.shape[0]
    mcC = -(-M // 4096)
    Mp = mcC * 4096
    pad_rows = Mp - M

    fpad = jnp.concatenate(
        [feats.reshape(-1).astype(jnp.float32),
         jnp.full((8,), -1e30, jnp.float32)])
    nbrT = jnp.concatenate(
        [nbr_pool.astype(jnp.int32),
         jnp.full((pad_rows, 9), _N, jnp.int32)], axis=0)
    nbrT = nbrT.T.reshape(9, 32, mcC * 128).transpose(1, 0, 2)
    nbrT = nbrT.reshape(32, 9 * mcC * 128)
    gidx = cells[:, 0].astype(jnp.int32) * _WG + cells[:, 1].astype(jnp.int32)
    gidx = jnp.concatenate([gidx, jnp.full((pad_rows,), _G, jnp.int32)])
    gidx = gidx.reshape(32, mcC, 128)

    outg, outm = _sc_densify(fpad, nbrT, gidx, mcC)
    g0 = (outg[:_GP] + outg[_GP:])[:_G].reshape(_HG, _WG)
    mk = (outm[:_GP] + outm[_GP:])[:_G].reshape(_HG, _WG)

    g0p = jnp.pad(g0, ((2, _HP - _HG - 2), (2, _WP - _WG - 2)))
    taps = jnp.stack(
        [g0p[dy:dy + _HG, dx:dx + _WG].reshape(-1)
         for dy in range(5) for dx in range(5)], axis=-1)
    m8 = jnp.tile(mk.reshape(_G, 1), (1, 8))

    wcat = jnp.concatenate(
        [W1.reshape(25, _C), W2a.reshape(25, 64), W3a.reshape(25, 64)], axis=1)

    q160, st160 = _conv1(taps, m8, wcat)
    x1q = q160[:, :_C]
    qa2 = q160[:, _C:_C + 64]
    qa3 = q160[:, _C + 64:]

    s2, t2 = _fold_bn(st160[:, _C:_C + 64], g2a, b2a, M)
    s3, t3 = _fold_bn(st160[:, _C + 64:], g3a, b3a, M)

    p12 = _conv(_pad_q(qa2, 64), W2b, s2, t2, _C, add=x1q)
    qb3, stb3 = _conv(_pad_q(qa3, 64), W3b, s3, t3, 64, m8=m8, stats=True,
                      encode=True)
    s3b, t3b = _fold_bn(stb3, g3b, b3b, M)
    qz, stz = _conv(_pad_q(qb3, 64), W3c, s3b, t3b, _C, m8=m8, add=p12,
                    stats=True, encode=True)
    sf, tf = _fold_bn(stz, gf, bf, M)

    y = _finish(qz, sf, tf)
    return jnp.transpose(y.reshape(_HG, _WG, _C), (2, 0, 1))[None]

# --- scband reference (transcript-rebuilt; emitter-appended) ---
"""Pipeline reference for scband-minkowski-encoder-30356828848557 (READ-ONLY COPY).

The authoritative reference and input builder live on the scoring server;
editing this copy changes nothing except your own understanding.
"""

import jax, jax.numpy as jnp
import numpy as np

H, W = 352, 1216
N_PTS = 65536
C = 32

def _build():
    rng = np.random.RandomState(0)
    flat = rng.choice(H * W, size=N_PTS, replace=False)
    ys = (flat // W).astype(np.int64); xs = (flat % W).astype(np.int64)
    grid_in = -np.ones((H, W), dtype=np.int64)
    grid_in[ys, xs] = np.arange(N_PTS)
    cy = ys // 2; cx = xs // 2
    cell_flat = np.unique(cy * (W // 2) + cx)
    ccy = cell_flat // (W // 2); ccx = cell_flat % (W // 2)
    M = cell_flat.shape[0]
    offs9 = np.array([[dy, dx] for dy in (-1, 0, 1) for dx in (-1, 0, 1)])
    py = 2 * ccy[:, None] + offs9[None, :, 0]; px = 2 * ccx[:, None] + offs9[None, :, 1]
    valid = (py >= 0) & (py < H) & (px >= 0) & (px < W)
    idx = np.where(valid, grid_in[np.clip(py, 0, H - 1), np.clip(px, 0, W - 1)], -1)
    nbr_pool = np.where(idx >= 0, idx, N_PTS).astype(np.int32)
    grid_out = -np.ones((H // 2, W // 2), dtype=np.int64)
    grid_out[ccy, ccx] = np.arange(M)
    offs25 = np.array([[dy, dx] for dy in range(-2, 3) for dx in range(-2, 3)])
    qy = ccy[:, None] + offs25[None, :, 0]; qx = ccx[:, None] + offs25[None, :, 1]
    v2 = (qy >= 0) & (qy < H // 2) & (qx >= 0) & (qx < W // 2)
    j = np.where(v2, grid_out[np.clip(qy, 0, H // 2 - 1), np.clip(qx, 0, W // 2 - 1)], -1)
    nbr5 = np.where(j >= 0, j, M).astype(np.int32)
    cells = np.stack([ccy, ccx], 1).astype(np.int32)
    return nbr_pool, nbr5, cells

def setup_inputs(seed: int = 0):
    key = jax.random.key(seed)
    ks = jax.random.split(key, 12)
    nbr_pool, nbr5, cells = _build()
    feats = jax.random.uniform(ks[0], (N_PTS, 1), minval=0.1, maxval=80.0)
    def w(k, shape):
        return jax.random.normal(k, shape) * 0.1
    return {
        'feats': feats,
        'W1': w(ks[1], (25, 1, C)),
        'W2a': w(ks[2], (25, 1, 2 * C)), 'g2a': jnp.ones(2 * C), 'b2a': jnp.zeros(2 * C),
        'W2b': w(ks[3], (25, 2 * C, C)),
        'W3a': w(ks[4], (25, 1, 2 * C)), 'g3a': jnp.ones(2 * C), 'b3a': jnp.zeros(2 * C),
        'W3b': w(ks[5], (25, 2 * C, 2 * C)), 'g3b': jnp.ones(2 * C), 'b3b': jnp.zeros(2 * C),
        'W3c': w(ks[6], (25, 2 * C, C)),
        'gf': jnp.ones(C), 'bf': jnp.zeros(C),
        'nbr_pool': jnp.asarray(nbr_pool), 'nbr5': jnp.asarray(nbr5), 'cells': jnp.asarray(cells),
    }

def _sconv(f, nbr, Wk):
    fpad = jnp.concatenate([f, jnp.zeros((1, f.shape[1]), f.dtype)], 0)
    out = jnp.zeros((f.shape[0], Wk.shape[2]), f.dtype)
    for k in range(nbr.shape[1]):
        out = out + fpad[nbr[:, k]] @ Wk[k]
    return out

def _bn(x, g, b):
    m = jnp.mean(x, 0); v = jnp.var(x, 0)
    return (x - m) / jnp.sqrt(v + 1e-5) * g + b

def reference(feats, W1, W2a, g2a, b2a, W2b, W3a, g3a, b3a, W3b, g3b, b3b, W3c, gf, bf, nbr_pool, nbr5, cells):
    fpad = jnp.concatenate([feats, jnp.full((1, feats.shape[1]), -1e30, feats.dtype)], 0)
    f0 = jnp.max(fpad[nbr_pool], axis=1)
    x1 = _sconv(f0, nbr5, W1)
    x2 = jax.nn.relu(_bn(_sconv(f0, nbr5, W2a), g2a, b2a))
    x2 = _sconv(x2, nbr5, W2b)
    x3 = jax.nn.relu(_bn(_sconv(f0, nbr5, W3a), g3a, b3a))
    x3 = jax.nn.relu(_bn(_sconv(x3, nbr5, W3b), g3b, b3b))
    x3 = _sconv(x3, nbr5, W3c)
    y = jax.nn.relu(_bn(x1 + x2 + x3, gf, bf))
    dense = jnp.zeros((1, H // 2, W // 2, C), y.dtype).at[0, cells[:, 0], cells[:, 1]].set(y)
    return jnp.transpose(dense, (0, 3, 1, 2))

if __name__ == "__main__":
    import jax
    _d = setup_inputs()
    print(jax.jit(kernel)(*tuple(_d.values())))

</pallas_src>

<mosaic_0001>
#map = affine_map<(d0, d1) -> (0)>
#map1 = affine_map<(d0, d1) -> (0, 0)>
#map2 = affine_map<(d0, d1) -> (0, 0, 0)>
module attributes {stable_mosaic.version = 14 : i64} {
  func.func @body(%arg0: i32, %arg1: i32, %arg2: memref<65544xf32, #tpu.memory_space<hbm>>, %arg3: memref<32x14976xi32, #tpu.memory_space<hbm>>, %arg4: memref<32x13x128xi32, #tpu.memory_space<hbm>>, %arg5: memref<6720xf32, #tpu.memory_space<hbm>>, %arg6: memref<128xf32, #tpu.memory_space<hbm>>, %arg7: memref<215040xf32, #tpu.memory_space<hbm>>, %arg8: memref<215040xf32, #tpu.memory_space<hbm>>, %arg9: memref<65544xf32, #tpu.memory_space<vmem>>, %arg10: memref<14976xi32, #tpu.memory_space<vmem>>, %arg11: memref<13x128xi32, #tpu.memory_space<vmem>>, %arg12: memref<128xf32, #tpu.memory_space<vmem>>, %arg13: memref<128xf32, #tpu.memory_space<vmem>>, %arg14: memref<6720xf32, #tpu.memory_space<vmem>>, %arg15: memref<107520xf32, #tpu.memory_space<vmem_shared>>, %arg16: memref<107520xf32, #tpu.memory_space<vmem_shared>>) attributes {dimension_semantics = [#tpu.dimension_semantics<core_parallel>, #tpu.dimension_semantics<subcore_parallel>], iteration_bounds = array<i64: 2, 16>, scalar_prefetch = 0 : i64, scratch_operands = 8 : i64, tpu.core_type = #tpu.core_type<sc_vector_subcore>, window_params = [{transform_indices = #map}, {transform_indices = #map1}, {transform_indices = #map2}, {transform_indices = #map}, {transform_indices = #map}, {transform_indices = #map}, {transform_indices = #map}]} {
    %mul3A = arith.constant 16 : i32
    %mul3A_0 = arith.muli %arg0, %mul3A : i32
    %add3A = arith.addi %mul3A_0, %arg1 : i32
    %mul3A_1 = arith.constant 6720 : i32
    %mul3A_2 = arith.muli %arg1, %mul3A_1 : i32
    "tpu.region"() ({
      %run_scoped3A = tpu.sem_alloc : memref<!tpu.dma_semaphore, #tpu.memory_space<semaphore_mem>>
      tpu.enqueue_dma source(%arg5 : memref<6720xf32, #tpu.memory_space<hbm>>) target(%arg14 : memref<6720xf32, #tpu.memory_space<vmem>>) target_semaphore(%run_scoped3A : memref<!tpu.dma_semaphore, #tpu.memory_space<semaphore_mem>>)
      tpu.wait_dma2 semaphore(%run_scoped3A : memref<!tpu.dma_semaphore, #tpu.memory_space<semaphore_mem>>) src(%arg5 : memref<6720xf32, #tpu.memory_space<hbm>>) dst(%arg14 : memref<6720xf32, #tpu.memory_space<vmem>>)
      tpu.yield
    }) : () -> ()
    "tpu.region"() ({
      %run_scoped3A = tpu.sem_alloc : memref<!tpu.dma_semaphore, #tpu.memory_space<semaphore_mem>>
      %dma_start3A = tpu.memref_slice %arg15[%mul3A_2] : memref<107520xf32, #tpu.memory_space<vmem_shared>> -> memref<6720xf32, #tpu.memory_space<vmem_shared>>
      %dma_start3A_12 = tpu.memref_slice %arg15[%mul3A_2] : memref<107520xf32, #tpu.memory_space<vmem_shared>> -> memref<6720xf32, #tpu.memory_space<vmem_shared>>
      tpu.enqueue_dma source(%arg14 : memref<6720xf32, #tpu.memory_space<vmem>>) target(%dma_start3A_12 : memref<6720xf32, #tpu.memory_space<vmem_shared>>) target_semaphore(%run_scoped3A : memref<!tpu.dma_semaphore, #tpu.memory_space<semaphore_mem>>)
      %dma_wait3A = tpu.memref_slice %arg15[%mul3A_2] : memref<107520xf32, #tpu.memory_space<vmem_shared>> -> memref<6720xf32, #tpu.memory_space<vmem_shared>>
      %dma_wait3A_13 = tpu.memref_slice %arg15[%mul3A_2] : memref<107520xf32, #tpu.memory_space<vmem_shared>> -> memref<6720xf32, #tpu.memory_space<vmem_shared>>
      tpu.wait_dma2 semaphore(%run_scoped3A : memref<!tpu.dma_semaphore, #tpu.memory_space<semaphore_mem>>) src(%arg14 : memref<6720xf32, #tpu.memory_space<vmem>>) dst(%dma_wait3A_13 : memref<6720xf32, #tpu.memory_space<vmem_shared>>)
      tpu.yield
    }) : () -> ()
    "tpu.region"() ({
      %run_scoped3A = tpu.sem_alloc : memref<!tpu.dma_semaphore, #tpu.memory_space<semaphore_mem>>
      %dma_start3A = tpu.memref_slice %arg16[%mul3A_2] : memref<107520xf32, #tpu.memory_space<vmem_shared>> -> memref<6720xf32, #tpu.memory_space<vmem_shared>>
      %dma_start3A_12 = tpu.memref_slice %arg16[%mul3A_2] : memref<107520xf32, #tpu.memory_space<vmem_shared>> -> memref<6720xf32, #tpu.memory_space<vmem_shared>>
      tpu.enqueue_dma source(%arg14 : memref<6720xf32, #tpu.memory_space<vmem>>) target(%dma_start3A_12 : memref<6720xf32, #tpu.memory_space<vmem_shared>>) target_semaphore(%run_scoped3A : memref<!tpu.dma_semaphore, #tpu.memory_space<semaphore_mem>>)
      %dma_wait3A = tpu.memref_slice %arg16[%mul3A_2] : memref<107520xf32, #tpu.memory_space<vmem_shared>> -> memref<6720xf32, #tpu.memory_space<vmem_shared>>
      %dma_wait3A_13 = tpu.memref_slice %arg16[%mul3A_2] : memref<107520xf32, #tpu.memory_space<vmem_shared>> -> memref<6720xf32, #tpu.memory_space<vmem_shared>>
      tpu.wait_dma2 semaphore(%run_scoped3A : memref<!tpu.dma_semaphore, #tpu.memory_space<semaphore_mem>>) src(%arg14 : memref<6720xf32, #tpu.memory_space<vmem>>) dst(%dma_wait3A_13 : memref<6720xf32, #tpu.memory_space<vmem_shared>>)
      tpu.yield
    }) : () -> ()
    "tpu.region"() ({
      %run_scoped3A = tpu.sem_alloc : memref<!tpu.dma_semaphore, #tpu.memory_space<semaphore_mem>>
      tpu.enqueue_dma source(%arg2 : memref<65544xf32, #tpu.memory_space<hbm>>) target(%arg9 : memref<65544xf32, #tpu.memory_space<vmem>>) target_semaphore(%run_scoped3A : memref<!tpu.dma_semaphore, #tpu.memory_space<semaphore_mem>>)
      tpu.wait_dma2 semaphore(%run_scoped3A : memref<!tpu.dma_semaphore, #tpu.memory_space<semaphore_mem>>) src(%arg2 : memref<65544xf32, #tpu.memory_space<hbm>>) dst(%arg9 : memref<65544xf32, #tpu.memory_space<vmem>>)
      tpu.yield
    }) : () -> ()
    "tpu.region"() ({
      %run_scoped3A = tpu.sem_alloc : memref<!tpu.dma_semaphore, #tpu.memory_space<semaphore_mem>>
      %dma_start3A = arith.constant 0 : i32
      %dma_start3A_12 = tpu.memref_slice %arg3[%add3A, %dma_start3A] : memref<32x14976xi32, #tpu.memory_space<hbm>> -> memref<1x14976xi32, #tpu.memory_space<hbm>>
      %dma_start3A_13 = tpu.memref_squeeze %dma_start3A_12 : memref<1x14976xi32, #tpu.memory_space<hbm>> -> memref<14976xi32, #tpu.memory_space<hbm>>
      %dma_start3A_14 = arith.constant 0 : i32
      %dma_start3A_15 = tpu.memref_slice %arg3[%add3A, %dma_start3A_14] : memref<32x14976xi32, #tpu.memory_space<hbm>> -> memref<1x14976xi32, #tpu.memory_space<hbm>>
      %dma_start3A_16 = tpu.memref_squeeze %dma_start3A_15 : memref<1x14976xi32, #tpu.memory_space<hbm>> -> memref<14976xi32, #tpu.memory_space<hbm>>
      tpu.enqueue_dma source(%dma_start3A_16 : memref<14976xi32, #tpu.memory_space<hbm>>) target(%arg10 : memref<14976xi32, #tpu.memory_space<vmem>>) target_semaphore(%run_scoped3A : memref<!tpu.dma_semaphore, #tpu.memory_space<semaphore_mem>>)
      %dma_wait3A = arith.constant 0 : i32
      %dma_wait3A_17 = tpu.memref_slice %arg3[%add3A, %dma_wait3A] : memref<32x14976xi32, #tpu.memory_space<hbm>> -> memref<1x14976xi32, #tpu.memory_space<hbm>>
      %dma_wait3A_18 = tpu.memref_squeeze %dma_wait3A_17 : memref<1x14976xi32, #tpu.memory_space<hbm>> -> memref<14976xi32, #tpu.memory_space<hbm>>
      %dma_wait3A_19 = arith.constant 0 : i32
      %dma_wait3A_20 = tpu.memref_slice %arg3[%add3A, %dma_wait3A_19] : memref<32x14976xi32, #tpu.memory_space<hbm>> -> memref<1x14976xi32, #tpu.memory_space<hbm>>
      %dma_wait3A_21 = tpu.memref_squeeze %dma_wait3A_20 : memref<1x14976xi32, #tpu.memory_space<hbm>> -> memref<14976xi32, #tpu.memory_space<hbm>>
      tpu.wait_dma2 semaphore(%run_scoped3A : memref<!tpu.dma_semaphore, #tpu.memory_space<semaphore_mem>>) src(%dma_wait3A_21 : memref<14976xi32, #tpu.memory_space<hbm>>) dst(%arg10 : memref<14976xi32, #tpu.memory_space<vmem>>)
      tpu.yield
    }) : () -> ()
    "tpu.region"() ({
      %run_scoped3A = tpu.sem_alloc : memref<!tpu.dma_semaphore, #tpu.memory_space<semaphore_mem>>
      %dma_start3A = arith.constant 0 : i32
      %dma_start3A_12 = arith.constant 0 : i32
      %dma_start3A_13 = tpu.memref_slice %arg4[%add3A, %dma_start3A, %dma_start3A_12] : memref<32x13x128xi32, #tpu.memory_space<hbm>> -> memref<1x13x128xi32, #tpu.memory_space<hbm>>
      %dma_start3A_14 = tpu.memref_squeeze %dma_start3A_13 : memref<1x13x128xi32, #tpu.memory_space<hbm>> -> memref<13x128xi32, #tpu.memory_space<hbm>>
      %dma_start3A_15 = arith.constant 0 : i32
      %dma_start3A_16 = arith.constant 0 : i32
      %dma_start3A_17 = tpu.memref_slice %arg4[%add3A, %dma_start3A_15, %dma_start3A_16] : memref<32x13x128xi32, #tpu.memory_space<hbm>> -> memref<1x13x128xi32, #tpu.memory_space<hbm>>
      %dma_start3A_18 = tpu.memref_squeeze %dma_start3A_17 : memref<1x13x128xi32, #tpu.memory_space<hbm>> -> memref<13x128xi32, #tpu.memory_space<hbm>>
      tpu.enqueue_dma source(%dma_start3A_18 : memref<13x128xi32, #tpu.memory_space<hbm>>) target(%arg11 : memref<13x128xi32, #tpu.memory_space<vmem>>) target_semaphore(%run_scoped3A : memref<!tpu.dma_semaphore, #tpu.memory_space<semaphore_mem>>)
      %dma_wait3A = arith.constant 0 : i32
      %dma_wait3A_19 = arith.constant 0 : i32
      %dma_wait3A_20 = tpu.memref_slice %arg4[%add3A, %dma_wait3A, %dma_wait3A_19] : memref<32x13x128xi32, #tpu.memory_space<hbm>> -> memref<1x13x128xi32, #tpu.memory_space<hbm>>
      %dma_wait3A_21 = tpu.memref_squeeze %dma_wait3A_20 : memref<1x13x128xi32, #tpu.memory_space<hbm>> -> memref<13x128xi32, #tpu.memory_space<hbm>>
      %dma_wait3A_22 = arith.constant 0 : i32
      %dma_wait3A_23 = arith.constant 0 : i32
      %dma_wait3A_24 = tpu.memref_slice %arg4[%add3A, %dma_wait3A_22, %dma_wait3A_23] : memref<32x13x128xi32, #tpu.memory_space<hbm>> -> memref<1x13x128xi32, #tpu.memory_space<hbm>>
      %dma_wait3A_25 = tpu.memref_squeeze %dma_wait3A_24 : memref<1x13x128xi32, #tpu.memory_space<hbm>> -> memref<13x128xi32, #tpu.memory_space<hbm>>
      tpu.wait_dma2 semaphore(%run_scoped3A : memref<!tpu.dma_semaphore, #tpu.memory_space<semaphore_mem>>) src(%dma_wait3A_25 : memref<13x128xi32, #tpu.memory_space<hbm>>) dst(%arg11 : memref<13x128xi32, #tpu.memory_space<vmem>>)
      tpu.yield
    }) : () -> ()
    "tpu.region"() ({
      %run_scoped3A = tpu.sem_alloc : memref<!tpu.dma_semaphore, #tpu.memory_space<semaphore_mem>>
      tpu.enqueue_dma source(%arg6 : memref<128xf32, #tpu.memory_space<hbm>>) target(%arg13 : memref<128xf32, #tpu.memory_space<vmem>>) target_semaphore(%run_scoped3A : memref<!tpu.dma_semaphore, #tpu.memory_space<semaphore_mem>>)
      tpu.wait_dma2 semaphore(%run_scoped3A : memref<!tpu.dma_semaphore, #tpu.memory_space<semaphore_mem>>) src(%arg6 : memref<128xf32, #tpu.memory_space<hbm>>) dst(%arg13 : memref<128xf32, #tpu.memory_space<vmem>>)
      tpu.yield
    }) : () -> ()
    %barrier3A = arith.constant 0 : index
    tpu.barrier barrier_id(%barrier3A)
    %scan3A = arith.constant 0 : i32
    %scan3A_3 = arith.constant 0 : i32
    %scan3A_4 = arith.constant 13 : i32
    %scan3A_5 = arith.addi %scan3A_3, %scan3A_4 : i32
    %scan3A_6 = arith.constant 1 : i32
    scf.for %scan3A_12 = %scan3A_3 to %scan3A_5 step %scan3A_6  : i32 {
      %mul3A_13 = arith.constant 128 : i32
      %mul3A_14 = arith.muli %scan3A_12, %mul3A_13 : i32
      %multiple_of3A = tpu.assume_multiple %mul3A_14, 128 : i32
      %add3A_15 = arith.constant 0 : i32
      %add3A_16 = arith.addi %multiple_of3A, %add3A_15 : i32
      %get3A = arith.index_cast %add3A_16 : i32 to index
      %get3A_17 = tpu.vector_load %arg10[%get3A] {strides = array<i32>} : memref<14976xi32, #tpu.memory_space<vmem>>, vector<16xi32>,
      %gather3A = tpu.vector_load_idx %arg9[%get3A_17] : memref<65544xf32, #tpu.memory_space<vmem>>[vector<16xi32>], vector<16xf32>,
      %add3A_18 = arith.constant 1664 : i32
      %add3A_19 = arith.addi %multiple_of3A, %add3A_18 : i32
      %add3A_20 = arith.constant 0 : i32
      %add3A_21 = arith.addi %add3A_19, %add3A_20 : i32
      %get3A_22 = arith.index_cast %add3A_21 : i32 to index
      %get3A_23 = tpu.vector_load %arg10[%get3A_22] {strides = array<i32>} : memref<14976xi32, #tpu.memory_space<vmem>>, vector<16xi32>,
      %gather3A_24 = tpu.vector_load_idx %arg9[%get3A_23] : memref<65544xf32, #tpu.memory_space<vmem>>[vector<16xi32>], vector<16xf32>,
      %max3A = arith.maximumf %gather3A, %gather3A_24 : vector<16xf32>
      %add3A_25 = arith.constant 3328 : i32
      %add3A_26 = arith.addi %multiple_of3A, %add3A_25 : i32
      %add3A_27 = arith.constant 0 : i32
      %add3A_28 = arith.addi %add3A_26, %add3A_27 : i32
      %get3A_29 = arith.index_cast %add3A_28 : i32 to index
      %get3A_30 = tpu.vector_load %arg10[%get3A_29] {strides = array<i32>} : memref<14976xi32, #tpu.memory_space<vmem>>, vector<16xi32>,
      %gather3A_31 = tpu.vector_load_idx %arg9[%get3A_30] : memref<65544xf32, #tpu.memory_space<vmem>>[vector<16xi32>], vector<16xf32>,
      %max3A_32 = arith.maximumf %max3A, %gather3A_31 : vector<16xf32>
      %add3A_33 = arith.constant 4992 : i32
      %add3A_34 = arith.addi %multiple_of3A, %add3A_33 : i32
      %add3A_35 = arith.constant 0 : i32
      %add3A_36 = arith.addi %add3A_34, %add3A_35 : i32
      %get3A_37 = arith.index_cast %add3A_36 : i32 to index
      %get3A_38 = tpu.vector_load %arg10[%get3A_37] {strides = array<i32>} : memref<14976xi32, #tpu.memory_space<vmem>>, vector<16xi32>,
      %gather3A_39 = tpu.vector_load_idx %arg9[%get3A_38] : memref<65544xf32, #tpu.memory_space<vmem>>[vector<16xi32>], vector<16xf32>,
      %max3A_40 = arith.maximumf %max3A_32, %gather3A_39 : vector<16xf32>
      %add3A_41 = arith.constant 6656 : i32
      %add3A_42 = arith.addi %multiple_of3A, %add3A_41 : i32
      %add3A_43 = arith.constant 0 : i32
      %add3A_44 = arith.addi %add3A_42, %add3A_43 : i32
      %get3A_45 = arith.index_cast %add3A_44 : i32 to index
      %get3A_46 = tpu.vector_load %arg10[%get3A_45] {strides = array<i32>} : memref<14976xi32, #tpu.memory_space<vmem>>, vector<16xi32>,
      %gather3A_47 = tpu.vector_load_idx %arg9[%get3A_46] : memref<65544xf32, #tpu.memory_space<vmem>>[vector<16xi32>], vector<16xf32>,
      %max3A_48 = arith.maximumf %max3A_40, %gather3A_47 : vector<16xf32>
      %add3A_49 = arith.constant 8320 : i32
      %add3A_50 = arith.addi %multiple_of3A, %add3A_49 : i32
      %add3A_51 = arith.constant 0 : i32
      %add3A_52 = arith.addi %add3A_50, %add3A_51 : i32
      %get3A_53 = arith.index_cast %add3A_52 : i32 to index
      %get3A_54 = tpu.vector_load %arg10[%get3A_53] {strides = array<i32>} : memref<14976xi32, #tpu.memory_space<vmem>>, vector<16xi32>,
      %gather3A_55 = tpu.vector_load_idx %arg9[%get3A_54] : memref<65544xf32, #tpu.memory_space<vmem>>[vector<16xi32>], vector<16xf32>,
      %max3A_56 = arith.maximumf %max3A_48, %gather3A_55 : vector<16xf32>
      %add3A_57 = arith.constant 9984 : i32
      %add3A_58 = arith.addi %multiple_of3A, %add3A_57 : i32
      %add3A_59 = arith.constant 0 : i32
      %add3A_60 = arith.addi %add3A_58, %add3A_59 : i32
      %get3A_61 = arith.index_cast %add3A_60 : i32 to index
      %get3A_62 = tpu.vector_load %arg10[%get3A_61] {strides = array<i32>} : memref<14976xi32, #tpu.memory_space<vmem>>, vector<16xi32>,
      %gather3A_63 = tpu.vector_load_idx %arg9[%get3A_62] : memref<65544xf32, #tpu.memory_space<vmem>>[vector<16xi32>], vector<16xf32>,
      %max3A_64 = arith.maximumf %max3A_56, %gather3A_63 : vector<16xf32>
      %add3A_65 = arith.constant 11648 : i32
      %add3A_66 = arith.addi %multiple_of3A, %add3A_65 : i32
      %add3A_67 = arith.constant 0 : i32
      %add3A_68 = arith.addi %add3A_66, %add3A_67 : i32
      %get3A_69 = arith.index_cast %add3A_68 : i32 to index
      %get3A_70 = tpu.vector_load %arg10[%get3A_69] {strides = array<i32>} : memref<14976xi32, #tpu.memory_space<vmem>>, vector<16xi32>,
      %gather3A_71 = tpu.vector_load_idx %arg9[%get3A_70] : memref<65544xf32, #tpu.memory_space<vmem>>[vector<16xi32>], vector<16xf32>,
      %max3A_72 = arith.maximumf %max3A_64, %gather3A_71 : vector<16xf32>
      %add3A_73 = arith.constant 13312 : i32
      %add3A_74 = arith.addi %multiple_of3A, %add3A_73 : i32
      %add3A_75 = arith.constant 0 : i32
      %add3A_76 = arith.addi %add3A_74, %add3A_75 : i32
      %get3A_77 = arith.index_cast %add3A_76 : i32 to index
      %get3A_78 = tpu.vector_load %arg10[%get3A_77] {strides = array<i32>} : memref<14976xi32, #tpu.memory_space<vmem>>, vector<16xi32>,
      %gather3A_79 = tpu.vector_load_idx %arg9[%get3A_78] : memref<65544xf32, #tpu.memory_space<vmem>>[vector<16xi32>], vector<16xf32>,
      %max3A_80 = arith.maximumf %max3A_72, %gather3A_79 : vector<16xf32>
      %swap3A = arith.constant 0 : index
      %swap3A_81 = tpu.vector_load %arg12[%swap3A] {strides = array<i32>} : memref<128xf32, #tpu.memory_space<vmem>>, vector<16xf32>,
      tpu.vector_store %arg12[%swap3A], %max3A_80 {strides = array<i32>} : memref<128xf32, #tpu.memory_space<vmem>>, vector<16xf32>,
      %add3A_82 = arith.constant 16 : i32
      %add3A_83 = arith.addi %multiple_of3A, %add3A_82 : i32
      %get3A_84 = arith.index_cast %add3A_83 : i32 to index
      %get3A_85 = tpu.vector_load %arg10[%get3A_84] {strides = array<i32>} : memref<14976xi32, #tpu.memory_space<vmem>>, vector<16xi32>,
      %gather3A_86 = tpu.vector_load_idx %arg9[%get3A_85] : memref<65544xf32, #tpu.memory_space<vmem>>[vector<16xi32>], vector<16xf32>,
      %add3A_87 = arith.constant 1664 : i32
      %add3A_88 = arith.addi %multiple_of3A, %add3A_87 : i32
      %add3A_89 = arith.constant 16 : i32
      %add3A_90 = arith.addi %add3A_88, %add3A_89 : i32
      %get3A_91 = arith.index_cast %add3A_90 : i32 to index
      %get3A_92 = tpu.vector_load %arg10[%get3A_91] {strides = array<i32>} : memref<14976xi32, #tpu.memory_space<vmem>>, vector<16xi32>,
      %gather3A_93 = tpu.vector_load_idx %arg9[%get3A_92] : memref<65544xf32, #tpu.memory_space<vmem>>[vector<16xi32>], vector<16xf32>,
      %max3A_94 = arith.maximumf %gather3A_86, %gather3A_93 : vector<16xf32>
      %add3A_95 = arith.constant 3328 : i32
      %add3A_96 = arith.addi %multiple_of3A, %add3A_95 : i32
      %add3A_97 = arith.constant 16 : i32
      %add3A_98 = arith.addi %add3A_96, %add3A_97 : i32
      %get3A_99 = arith.index_cast %add3A_98 : i32 to index
      %get3A_100 = tpu.vector_load %arg10[%get3A_99] {strides = array<i32>} : memref<14976xi32, #tpu.memory_space<vmem>>, vector<16xi32>,
      %gather3A_101 = tpu.vector_load_idx %arg9[%get3A_100] : memref<65544xf32, #tpu.memory_space<vmem>>[vector<16xi32>], vector<16xf32>,
      %max3A_102 = arith.maximumf %max3A_94, %gather3A_101 : vector<16xf32>
      %add3A_103 = arith.constant 4992 : i32
      %add3A_104 = arith.addi %multiple_of3A, %add3A_103 : i32
      %add3A_105 = arith.constant 16 : i32
      %add3A_106 = arith.addi %add3A_104, %add3A_105 : i32
      %get3A_107 = arith.index_cast %add3A_106 : i32 to index
      %get3A_108 = tpu.vector_load %arg10[%get3A_107] {strides = array<i32>} : memref<14976xi32, #tpu.memory_space<vmem>>, vector<16xi32>,
      %gather3A_109 = tpu.vector_load_idx %arg9[%get3A_108] : memref<65544xf32, #tpu.memory_space<vmem>>[vector<16xi32>], vector<16xf32>,
      %max3A_110 = arith.maximumf %max3A_102, %gather3A_109 : vector<16xf32>
      %add3A_111 = arith.constant 6656 : i32
      %add3A_112 = arith.addi %multiple_of3A, %add3A_111 : i32
      %add3A_113 = arith.constant 16 : i32
      %add3A_114 = arith.addi %add3A_112, %add3A_113 : i32
      %get3A_115 = arith.index_cast %add3A_114 : i32 to index
      %get3A_116 = tpu.vector_load %arg10[%get3A_115] {strides = array<i32>} : memref<14976xi32, #tpu.memory_space<vmem>>, vector<16xi32>,
      %gather3A_117 = tpu.vector_load_idx %arg9[%get3A_116] : memref<65544xf32, #tpu.memory_space<vmem>>[vector<16xi32>], vector<16xf32>,
      %max3A_118 = arith.maximumf %max3A_110, %gather3A_117 : vector<16xf32>
      %add3A_119 = arith.constant 8320 : i32
      %add3A_120 = arith.addi %multiple_of3A, %add3A_119 : i32
      %add3A_121 = arith.constant 16 : i32
      %add3A_122 = arith.addi %add3A_120, %add3A_121 : i32
      %get3A_123 = arith.index_cast %add3A_122 : i32 to index
      %get3A_124 = tpu.vector_load %arg10[%get3A_123] {strides = array<i32>} : memref<14976xi32, #tpu.memory_space<vmem>>, vector<16xi32>,
      %gather3A_125 = tpu.vector_load_idx %arg9[%get3A_124] : memref<65544xf32, #tpu.memory_space<vmem>>[vector<16xi32>], vector<16xf32>,
      %max3A_126 = arith.maximumf %max3A_118, %gather3A_125 : vector<16xf32>
      %add3A_127 = arith.constant 9984 : i32
      %add3A_128 = arith.addi %multiple_of3A, %add3A_127 : i32
      %add3A_129 = arith.constant 16 : i32
      %add3A_130 = arith.addi %add3A_128, %add3A_129 : i32
      %get3A_131 = arith.index_cast %add3A_130 : i32 to index
      %get3A_132 = tpu.vector_load %arg10[%get3A_131] {strides = array<i32>} : memref<14976xi32, #tpu.memory_space<vmem>>, vector<16xi32>,
      %gather3A_133 = tpu.vector_load_idx %arg9[%get3A_132] : memref<65544xf32, #tpu.memory_space<vmem>>[vector<16xi32>], vector<16xf32>,
      %max3A_134 = arith.maximumf %max3A_126, %gather3A_133 : vector<16xf32>
      %add3A_135 = arith.constant 11648 : i32
      %add3A_136 = arith.addi %multiple_of3A, %add3A_135 : i32
      %add3A_137 = arith.constant 16 : i32
      %add3A_138 = arith.addi %add3A_136, %add3A_137 : i32
      %get3A_139 = arith.index_cast %add3A_138 : i32 to index
      %get3A_140 = tpu.vector_load %arg10[%get3A_139] {strides = array<i32>} : memref<14976xi32, #tpu.memory_space<vmem>>, vector<16xi32>,
      %gather3A_141 = tpu.vector_load_idx %arg9[%get3A_140] : memref<65544xf32, #tpu.memory_space<vmem>>[vector<16xi32>], vector<16xf32>,
      %max3A_142 = arith.maximumf %max3A_134, %gather3A_141 : vector<16xf32>
      %add3A_143 = arith.constant 13312 : i32
      %add3A_144 = arith.addi %multiple_of3A, %add3A_143 : i32
      %add3A_145 = arith.constant 16 : i32
      %add3A_146 = arith.addi %add3A_144, %add3A_145 : i32
      %get3A_147 = arith.index_cast %add3A_146 : i32 to index
      %get3A_148 = tpu.vector_load %arg10[%get3A_147] {strides = array<i32>} : memref<14976xi32, #tpu.memory_space<vmem>>, vector<16xi32>,
      %gather3A_149 = tpu.vector_load_idx %arg9[%get3A_148] : memref<65544xf32, #tpu.memory_space<vmem>>[vector<16xi32>], vector<16xf32>,
      %max3A_150 = arith.maximumf %max3A_142, %gather3A_149 : vector<16xf32>
      %swap3A_151 = arith.constant 16 : index
      %swap3A_152 = tpu.vector_load %arg12[%swap3A_151] {strides = array<i32>} : memref<128xf32, #tpu.memory_space<vmem>>, vector<16xf32>,
      tpu.vector_store %arg12[%swap3A_151], %max3A_150 {strides = array<i32>} : memref<128xf32, #tpu.memory_space<vmem>>, vector<16xf32>,
      %add3A_153 = arith.constant 32 : i32
      %add3A_154 = arith.addi %multiple_of3A, %add3A_153 : i32
      %get3A_155 = arith.index_cast %add3A_154 : i32 to index
      %get3A_156 = tpu.vector_load %arg10[%get3A_155] {strides = array<i32>} : memref<14976xi32, #tpu.memory_space<vmem>>, vector<16xi32>,
      %gather3A_157 = tpu.vector_load_idx %arg9[%get3A_156] : memref<65544xf32, #tpu.memory_space<vmem>>[vector<16xi32>], vector<16xf32>,
      %add3A_158 = arith.constant 1664 : i32
      %add3A_159 = arith.addi %multiple_of3A, %add3A_158 : i32
      %add3A_160 = arith.constant 32 : i32
      %add3A_161 = arith.addi %add3A_159, %add3A_160 : i32
      %get3A_162 = arith.index_cast %add3A_161 : i32 to index
      %get3A_163 = tpu.vector_load %arg10[%get3A_162] {strides = array<i32>} : memref<14976xi32, #tpu.memory_space<vmem>>, vector<16xi32>,
      %gather3A_164 = tpu.vector_load_idx %arg9[%get3A_163] : memref<65544xf32, #tpu.memory_space<vmem>>[vector<16xi32>], vector<16xf32>,
      %max3A_165 = arith.maximumf %gather3A_157, %gather3A_164 : vector<16xf32>
      %add3A_166 = arith.constant 3328 : i32
      %add3A_167 = arith.addi %multiple_of3A, %add3A_166 : i32
      %add3A_168 = arith.constant 32 : i32
      %add3A_169 = arith.addi %add3A_167, %add3A_168 : i32
      %get3A_170 = arith.index_cast %add3A_169 : i32 to index
      %get3A_171 = tpu.vector_load %arg10[%get3A_170] {strides = array<i32>} : memref<14976xi32, #tpu.memory_space<vmem>>, vector<16xi32>,
      %gather3A_172 = tpu.vector_load_idx %arg9[%get3A_171] : memref<65544xf32, #tpu.memory_space<vmem>>[vector<16xi32>], vector<16xf32>,
      %max3A_173 = arith.maximumf %max3A_165, %gather3A_172 : vector<16xf32>
      %add3A_174 = arith.constant 4992 : i32
      %add3A_175 = arith.addi %multiple_of3A, %add3A_174 : i32
      %add3A_176 = arith.constant 32 : i32
      %add3A_177 = arith.addi %add3A_175, %add3A_176 : i32
      %get3A_178 = arith.index_cast %add3A_177 : i32 to index
      %get3A_179 = tpu.vector_load %arg10[%get3A_178] {strides = array<i32>} : memref<14976xi32, #tpu.memory_space<vmem>>, vector<16xi32>,
      %gather3A_180 = tpu.vector_load_idx %arg9[%get3A_179] : memref<65544xf32, #tpu.memory_space<vmem>>[vector<16xi32>], vector<16xf32>,
      %max3A_181 = arith.maximumf %max3A_173, %gather3A_180 : vector<16xf32>
      %add3A_182 = arith.constant 6656 : i32
      %add3A_183 = arith.addi %multiple_of3A, %add3A_182 : i32
      %add3A_184 = arith.constant 32 : i32
      %add3A_185 = arith.addi %add3A_183, %add3A_184 : i32
      %get3A_186 = arith.index_cast %add3A_185 : i32 to index
      %get3A_187 = tpu.vector_load %arg10[%get3A_186] {strides = array<i32>} : memref<14976xi32, #tpu.memory_space<vmem>>, vector<16xi32>,
      %gather3A_188 = tpu.vector_load_idx %arg9[%get3A_187] : memref<65544xf32, #tpu.memory_space<vmem>>[vector<16xi32>], vector<16xf32>,
      %max3A_189 = arith.maximumf %max3A_181, %gather3A_188 : vector<16xf32>
      %add3A_190 = arith.constant 8320 : i32
      %add3A_191 = arith.addi %multiple_of3A, %add3A_190 : i32
      %add3A_192 = arith.constant 32 : i32
      %add3A_193 = arith.addi %add3A_191, %add3A_192 : i32
      %get3A_194 = arith.index_cast %add3A_193 : i32 to index
      %get3A_195 = tpu.vector_load %arg10[%get3A_194] {strides = array<i32>} : memref<14976xi32, #tpu.memory_space<vmem>>, vector<16xi32>,
      %gather3A_196 = tpu.vector_load_idx %arg9[%get3A_195] : memref<65544xf32, #tpu.memory_space<vmem>>[vector<16xi32>], vector<16xf32>,
      %max3A_197 = arith.maximumf %max3A_189, %gather3A_196 : vector<16xf32>
      %add3A_198 = arith.constant 9984 : i32
      %add3A_199 = arith.addi %multiple_of3A, %add3A_198 : i32
      %add3A_200 = arith.constant 32 : i32
      %add3A_201 = arith.addi %add3A_199, %add3A_200 : i32
      %get3A_202 = arith.index_cast %add3A_201 : i32 to index
      %get3A_203 = tpu.vector_load %arg10[%get3A_202] {strides = array<i32>} : memref<14976xi32, #tpu.memory_space<vmem>>, vector<16xi32>,
      %gather3A_204 = tpu.vector_load_idx %arg9[%get3A_203] : memref<65544xf32, #tpu.memory_space<vmem>>[vector<16xi32>], vector<16xf32>,
      %max3A_205 = arith.maximumf %max3A_197, %gather3A_204 : vector<16xf32>
      %add3A_206 = arith.constant 11648 : i32
      %add3A_207 = arith.addi %multiple_of3A, %add3A_206 : i32
      %add3A_208 = arith.constant 32 : i32
      %add3A_209 = arith.addi %add3A_207, %add3A_208 : i32
      %get3A_210 = arith.index_cast %add3A_209 : i32 to index
      %get3A_211 = tpu.vector_load %arg10[%get3A_210] {strides = array<i32>} : memref<14976xi32, #tpu.memory_space<vmem>>, vector<16xi32>,
      %gather3A_212 = tpu.vector_load_idx %arg9[%get3A_211] : memref<65544xf32, #tpu.memory_space<vmem>>[vector<16xi32>], vector<16xf32>,
      %max3A_213 = arith.maximumf %max3A_205, %gather3A_212 : vector<16xf32>
      %add3A_214 = arith.constant 13312 : i32
      %add3A_215 = arith.addi %multiple_of3A, %add3A_214 : i32
      %add3A_216 = arith.constant 32 : i32
      %add3A_217 = arith.addi %add3A_215, %add3A_216 : i32
      %get3A_218 = arith.index_cast %add3A_217 : i32 to index
      %get3A_219 = tpu.vector_load %arg10[%get3A_218] {strides = array<i32>} : memref<14976xi32, #tpu.memory_space<vmem>>, vector<16xi32>,
      %gather3A_220 = tpu.vector_load_idx %arg9[%get3A_219] : memref<65544xf32, #tpu.memory_space<vmem>>[vector<16xi32>], vector<16xf32>,
      %max3A_221 = arith.maximumf %max3A_213, %gather3A_220 : vector<16xf32>
      %swap3A_222 = arith.constant 32 : index
      %swap3A_223 = tpu.vector_load %arg12[%swap3A_222] {strides = array<i32>} : memref<128xf32, #tpu.memory_space<vmem>>, vector<16xf32>,
      tpu.vector_store %arg12[%swap3A_222], %max3A_221 {strides = array<i32>} : memref<128xf32, #tpu.memory_space<vmem>>, vector<16xf32>,
      %add3A_224 = arith.constant 48 : i32
      %add3A_225 = arith.addi %multiple_of3A, %add3A_224 : i32
      %get3A_226 = arith.index_cast %add3A_225 : i32 to index
      %get3A_227 = tpu.vector_load %arg10[%get3A_226] {strides = array<i32>} : memref<14976xi32, #tpu.memory_space<vmem>>, vector<16xi32>,
      %gather3A_228 = tpu.vector_load_idx %arg9[%get3A_227] : memref<65544xf32, #tpu.memory_space<vmem>>[vector<16xi32>], vector<16xf32>,
      %add3A_229 = arith.constant 1664 : i32
      %add3A_230 = arith.addi %multiple_of3A, %add3A_229 : i32
      %add3A_231 = arith.constant 48 : i32
      %add3A_232 = arith.addi %add3A_230, %add3A_231 : i32
      %get3A_233 = arith.index_cast %add3A_232 : i32 to index
      %get3A_234 = tpu.vector_load %arg10[%get3A_233] {strides = array<i32>} : memref<14976xi32, #tpu.memory_space<vmem>>, vector<16xi32>,
      %gather3A_235 = tpu.vector_load_idx %arg9[%get3A_234] : memref<65544xf32, #tpu.memory_space<vmem>>[vector<16xi32>], vector<16xf32>,
      %max3A_236 = arith.maximumf %gather3A_228, %gather3A_235 : vector<16xf32>
      %add3A_237 = arith.constant 3328 : i32
      %add3A_238 = arith.addi %multiple_of3A, %add3A_237 : i32
      %add3A_239 = arith.constant 48 : i32
      %add3A_240 = arith.addi %add3A_238, %add3A_239 : i32
      %get3A_241 = arith.index_cast %add3A_240 : i32 to index
      %get3A_242 = tpu.vector_load %arg10[%get3A_241] {strides = array<i32>} : memref<14976xi32, #tpu.memory_space<vmem>>, vector<16xi32>,
      %gather3A_243 = tpu.vector_load_idx %arg9[%get3A_242] : memref<65544xf32, #tpu.memory_space<vmem>>[vector<16xi32>], vector<16xf32>,
      %max3A_244 = arith.maximumf %max3A_236, %gather3A_243 : vector<16xf32>
      %add3A_245 = arith.constant 4992 : i32
      %add3A_246 = arith.addi %multiple_of3A, %add3A_245 : i32
      %add3A_247 = arith.constant 48 : i32
      %add3A_248 = arith.addi %add3A_246, %add3A_247 : i32
      %get3A_249 = arith.index_cast %add3A_248 : i32 to index
      %get3A_250 = tpu.vector_load %arg10[%get3A_249] {strides = array<i32>} : memref<14976xi32, #tpu.memory_space<vmem>>, vector<16xi32>,
      %gather3A_251 = tpu.vector_load_idx %arg9[%get3A_250] : memref<65544xf32, #tpu.memory_space<vmem>>[vector<16xi32>], vector<16xf32>,
      %max3A_252 = arith.maximumf %max3A_244, %gather3A_251 : vector<16xf32>
      %add3A_253 = arith.constant 6656 : i32
      %add3A_254 = arith.addi %multiple_of3A, %add3A_253 : i32
      %add3A_255 = arith.constant 48 : i32
      %add3A_256 = arith.addi %add3A_254, %add3A_255 : i32
      %get3A_257 = arith.index_cast %add3A_256 : i32 to index
      %get3A_258 = tpu.vector_load %arg10[%get3A_257] {strides = array<i32>} : memref<14976xi32, #tpu.memory_space<vmem>>, vector<16xi32>,
      %gather3A_259 = tpu.vector_load_idx %arg9[%get3A_258] : memref<65544xf32, #tpu.memory_space<vmem>>[vector<16xi32>], vector<16xf32>,
      %max3A_260 = arith.maximumf %max3A_252, %gather3A_259 : vector<16xf32>
      %add3A_261 = arith.constant 8320 : i32
      %add3A_262 = arith.addi %multiple_of3A, %add3A_261 : i32
      %add3A_263 = arith.constant 48 : i32
      %add3A_264 = arith.addi %add3A_262, %add3A_263 : i32
      %get3A_265 = arith.index_cast %add3A_264 : i32 to index
      %get3A_266 = tpu.vector_load %arg10[%get3A_265] {strides = array<i32>} : memref<14976xi32, #tpu.memory_space<vmem>>, vector<16xi32>,
      %gather3A_267 = tpu.vector_load_idx %arg9[%get3A_266] : memref<65544xf32, #tpu.memory_space<vmem>>[vector<16xi32>], vector<16xf32>,
      %max3A_268 = arith.maximumf %max3A_260, %gather3A_267 : vector<16xf32>
      %add3A_269 = arith.constant 9984 : i32
      %add3A_270 = arith.addi %multiple_of3A, %add3A_269 : i32
      %add3A_271 = arith.constant 48 : i32
      %add3A_272 = arith.addi %add3A_270, %add3A_271 : i32
      %get3A_273 = arith.index_cast %add3A_272 : i32 to index
      %get3A_274 = tpu.vector_load %arg10[%get3A_273] {strides = array<i32>} : memref<14976xi32, #tpu.memory_space<vmem>>, vector<16xi32>,
      %gather3A_275 = tpu.vector_load_idx %arg9[%get3A_274] : memref<65544xf32, #tpu.memory_space<vmem>>[vector<16xi32>], vector<16xf32>,
      %max3A_276 = arith.maximumf %max3A_268, %gather3A_275 : vector<16xf32>
      %add3A_277 = arith.constant 11648 : i32
      %add3A_278 = arith.addi %multiple_of3A, %add3A_277 : i32
      %add3A_279 = arith.constant 48 : i32
      %add3A_280 = arith.addi %add3A_278, %add3A_279 : i32
      %get3A_281 = arith.index_cast %add3A_280 : i32 to index
      %get3A_282 = tpu.vector_load %arg10[%get3A_281] {strides = array<i32>} : memref<14976xi32, #tpu.memory_space<vmem>>, vector<16xi32>,
      %gather3A_283 = tpu.vector_load_idx %arg9[%get3A_282] : memref<65544xf32, #tpu.memory_space<vmem>>[vector<16xi32>], vector<16xf32>,
      %max3A_284 = arith.maximumf %max3A_276, %gather3A_283 : vector<16xf32>
      %add3A_285 = arith.constant 13312 : i32
      %add3A_286 = arith.addi %multiple_of3A, %add3A_285 : i32
      %add3A_287 = arith.constant 48 : i32
      %add3A_288 = arith.addi %add3A_286, %add3A_287 : i32
      %get3A_289 = arith.index_cast %add3A_288 : i32 to index
      %get3A_290 = tpu.vector_load %arg10[%get3A_289] {strides = array<i32>} : memref<14976xi32, #tpu.memory_space<vmem>>, vector<16xi32>,
      %gather3A_291 = tpu.vector_load_idx %arg9[%get3A_290] : memref<65544xf32, #tpu.memory_space<vmem>>[vector<16xi32>], vector<16xf32>,
      %max3A_292 = arith.maximumf %max3A_284, %gather3A_291 : vector<16xf32>
      %swap3A_293 = arith.constant 48 : index
      %swap3A_294 = tpu.vector_load %arg12[%swap3A_293] {strides = array<i32>} : memref<128xf32, #tpu.memory_space<vmem>>, vector<16xf32>,
      tpu.vector_store %arg12[%swap3A_293], %max3A_292 {strides = array<i32>} : memref<128xf32, #tpu.memory_space<vmem>>, vector<16xf32>,
      %add3A_295 = arith.constant 64 : i32
      %add3A_296 = arith.addi %multiple_of3A, %add3A_295 : i32
      %get3A_297 = arith.index_cast %add3A_296 : i32 to index
      %get3A_298 = tpu.vector_load %arg10[%get3A_297] {strides = array<i32>} : memref<14976xi32, #tpu.memory_space<vmem>>, vector<16xi32>,
      %gather3A_299 = tpu.vector_load_idx %arg9[%get3A_298] : memref<65544xf32, #tpu.memory_space<vmem>>[vector<16xi32>], vector<16xf32>,
      %add3A_300 = arith.constant 1664 : i32
      %add3A_301 = arith.addi %multiple_of3A, %add3A_300 : i32
      %add3A_302 = arith.constant 64 : i32
      %add3A_303 = arith.addi %add3A_301, %add3A_302 : i32
      %get3A_304 = arith.index_cast %add3A_303 : i32 to index
      %get3A_305 = tpu.vector_load %arg10[%get3A_304] {strides = array<i32>} : memref<14976xi32, #tpu.memory_space<vmem>>, vector<16xi32>,
      %gather3A_306 = tpu.vector_load_idx %arg9[%get3A_305] : memref<65544xf32, #tpu.memory_space<vmem>>[vector<16xi32>], vector<16xf32>,
      %max3A_307 = arith.maximumf %gather3A_299, %gather3A_306 : vector<16xf32>
      %add3A_308 = arith.constant 3328 : i32
      %add3A_309 = arith.addi %multiple_of3A, %add3A_308 : i32
      %add3A_310 = arith.constant 64 : i32
      %add3A_311 = arith.addi %add3A_309, %add3A_310 : i32
      %get3A_312 = arith.index_cast %add3A_311 : i32 to index
      %get3A_313 = tpu.vector_load %arg10[%get3A_312] {strides = array<i32>} : memref<14976xi32, #tpu.memory_space<vmem>>, vector<16xi32>,
      %gather3A_314 = tpu.vector_load_idx %arg9[%get3A_313] : memref<65544xf32, #tpu.memory_space<vmem>>[vector<16xi32>], vector<16xf32>,
      %max3A_315 = arith.maximumf %max3A_307, %gather3A_314 : vector<16xf32>
      %add3A_316 = arith.constant 4992 : i32
      %add3A_317 = arith.addi %multiple_of3A, %add3A_316 : i32
      %add3A_318 = arith.constant 64 : i32
      %add3A_319 = arith.addi %add3A_317, %add3A_318 : i32
      %get3A_320 = arith.index_cast %add3A_319 : i32 to index
      %get3A_321 = tpu.vector_load %arg10[%get3A_320] {strides = array<i32>} : memref<14976xi32, #tpu.memory_space<vmem>>, vector<16xi32>,
      %gather3A_322 = tpu.vector_load_idx %arg9[%get3A_321] : memref<65544xf32, #tpu.memory_space<vmem>>[vector<16xi32>], vector<16xf32>,
      %max3A_323 = arith.maximumf %max3A_315, %gather3A_322 : vector<16xf32>
      %add3A_324 = arith.constant 6656 : i32
      %add3A_325 = arith.addi %multiple_of3A, %add3A_324 : i32
      %add3A_326 = arith.constant 64 : i32
      %add3A_327 = arith.addi %add3A_325, %add3A_326 : i32
      %get3A_328 = arith.index_cast %add3A_327 : i32 to index
      %get3A_329 = tpu.vector_load %arg10[%get3A_328] {strides = array<i32>} : memref<14976xi32, #tpu.memory_space<vmem>>, vector<16xi32>,
      %gather3A_330 = tpu.vector_load_idx %arg9[%get3A_329] : memref<65544xf32, #tpu.memory_space<vmem>>[vector<16xi32>], vector<16xf32>,
      %max3A_331 = arith.maximumf %max3A_323, %gather3A_330 : vector<16xf32>
      %add3A_332 = arith.constant 8320 : i32
      %add3A_333 = arith.addi %multiple_of3A, %add3A_332 : i32
      %add3A_334 = arith.constant 64 : i32
      %add3A_335 = arith.addi %add3A_333, %add3A_334 : i32
      %get3A_336 = arith.index_cast %add3A_335 : i32 to index
      %get3A_337 = tpu.vector_load %arg10[%get3A_336] {strides = array<i32>} : memref<14976xi32, #tpu.memory_space<vmem>>, vector<16xi32>,
      %gather3A_338 = tpu.vector_load_idx %arg9[%get3A_337] : memref<65544xf32, #tpu.memory_space<vmem>>[vector<16xi32>], vector<16xf32>,
      %max3A_339 = arith.maximumf %max3A_331, %gather3A_338 : vector<16xf32>
      %add3A_340 = arith.constant 9984 : i32
      %add3A_341 = arith.addi %multiple_of3A, %add3A_340 : i32
      %add3A_342 = arith.constant 64 : i32
      %add3A_343 = arith.addi %add3A_341, %add3A_342 : i32
      %get3A_344 = arith.index_cast %add3A_343 : i32 to index
      %get3A_345 = tpu.vector_load %arg10[%get3A_344] {strides = array<i32>} : memref<14976xi32, #tpu.memory_space<vmem>>, vector<16xi32>,
      %gather3A_346 = tpu.vector_load_idx %arg9[%get3A_345] : memref<65544xf32, #tpu.memory_space<vmem>>[vector<16xi32>], vector<16xf32>,
      %max3A_347 = arith.maximumf %max3A_339, %gather3A_346 : vector<16xf32>
      %add3A_348 = arith.constant 11648 : i32
      %add3A_349 = arith.addi %multiple_of3A, %add3A_348 : i32
      %add3A_350 = arith.constant 64 : i32
      %add3A_351 = arith.addi %add3A_349, %add3A_350 : i32
      %get3A_352 = arith.index_cast %add3A_351 : i32 to index
      %get3A_353 = tpu.vector_load %arg10[%get3A_352] {strides = array<i32>} : memref<14976xi32, #tpu.memory_space<vmem>>, vector<16xi32>,
      %gather3A_354 = tpu.vector_load_idx %arg9[%get3A_353] : memref<65544xf32, #tpu.memory_space<vmem>>[vector<16xi32>], vector<16xf32>,
      %max3A_355 = arith.maximumf %max3A_347, %gather3A_354 : vector<16xf32>
      %add3A_356 = arith.constant 13312 : i32
      %add3A_357 = arith.addi %multiple_of3A, %add3A_356 : i32
      %add3A_358 = arith.constant 64 : i32
      %add3A_359 = arith.addi %add3A_357, %add3A_358 : i32
      %get3A_360 = arith.index_cast %add3A_359 : i32 to index
      %get3A_361 = tpu.vector_load %arg10[%get3A_360] {strides = array<i32>} : memref<14976xi32, #tpu.memory_space<vmem>>, vector<16xi32>,
      %gather3A_362 = tpu.vector_load_idx %arg9[%get3A_361] : memref<65544xf32, #tpu.memory_space<vmem>>[vector<16xi32>], vector<16xf32>,
      %max3A_363 = arith.maximumf %max3A_355, %gather3A_362 : vector<16xf32>
      %swap3A_364 = arith.constant 64 : index
      %swap3A_365 = tpu.vector_load %arg12[%swap3A_364] {strides = array<i32>} : memref<128xf32, #tpu.memory_space<vmem>>, vector<16xf32>,
      tpu.vector_store %arg12[%swap3A_364], %max3A_363 {strides = array<i32>} : memref<128xf32, #tpu.memory_space<vmem>>, vector<16xf32>,
      %add3A_366 = arith.constant 80 : i32
      %add3A_367 = arith.addi %multiple_of3A, %add3A_366 : i32
      %get3A_368 = arith.index_cast %add3A_367 : i32 to index
      %get3A_369 = tpu.vector_load %arg10[%get3A_368] {strides = array<i32>} : memref<14976xi32, #tpu.memory_space<vmem>>, vector<16xi32>,
      %gather3A_370 = tpu.vector_load_idx %arg9[%get3A_369] : memref<65544xf32, #tpu.memory_space<vmem>>[vector<16xi32>], vector<16xf32>,
      %add3A_371 = arith.constant 1664 : i32
      %add3A_372 = arith.addi %multiple_of3A, %add3A_371 : i32
      %add3A_373 = arith.constant 80 : i32
      %add3A_374 = arith.addi %add3A_372, %add3A_373 : i32
      %get3A_375 = arith.index_cast %add3A_374 : i32 to index
      %get3A_376 = tpu.vector_load %arg10[%get3A_375] {strides = array<i32>} : memref<14976xi32, #tpu.memory_space<vmem>>, vector<16xi32>,
      %gather3A_377 = tpu.vector_load_idx %arg9[%get3A_376] : memref<65544xf32, #tpu.memory_space<vmem>>[vector<16xi32>], vector<16xf32>,
      %max3A_378 = arith.maximumf %gather3A_370, %gather3A_377 : vector<16xf32>
      %add3A_379 = arith.constant 3328 : i32
      %add3A_380 = arith.addi %multiple_of3A, %add3A_379 : i32
      %add3A_381 = arith.constant 80 : i32
      %add3A_382 = arith.addi %add3A_380, %add3A_381 : i32
      %get3A_383 = arith.index_cast %add3A_382 : i32 to index
      %get3A_384 = tpu.vector_load %arg10[%get3A_383] {strides = array<i32>} : memref<14976xi32, #tpu.memory_space<vmem>>, vector<16xi32>,
      %gather3A_385 = tpu.vector_load_idx %arg9[%get3A_384] : memref<65544xf32, #tpu.memory_space<vmem>>[vector<16xi32>], vector<16xf32>,
      %max3A_386 = arith.maximumf %max3A_378, %gather3A_385 : vector<16xf32>
      %add3A_387 = arith.constant 4992 : i32
      %add3A_388 = arith.addi %multiple_of3A, %add3A_387 : i32
      %add3A_389 = arith.constant 80 : i32
      %add3A_390 = arith.addi %add3A_388, %add3A_389 : i32
      %get3A_391 = arith.index_cast %add3A_390 : i32 to index
      %get3A_392 = tpu.vector_load %arg10[%get3A_391] {strides = array<i32>} : memref<14976xi32, #tpu.memory_space<vmem>>, vector<16xi32>,
      %gather3A_393 = tpu.vector_load_idx %arg9[%get3A_392] : memref<65544xf32, #tpu.memory_space<vmem>>[vector<16xi32>], vector<16xf32>,
      %max3A_394 = arith.maximumf %max3A_386, %gather3A_393 : vector<16xf32>
      %add3A_395 = arith.constant 6656 : i32
      %add3A_396 = arith.addi %multiple_of3A, %add3A_395 : i32
      %add3A_397 = arith.constant 80 : i32
      %add3A_398 = arith.addi %add3A_396, %add3A_397 : i32
      %get3A_399 = arith.index_cast %add3A_398 : i32 to index
      %get3A_400 = tpu.vector_load %arg10[%get3A_399] {strides = array<i32>} : memref<14976xi32, #tpu.memory_space<vmem>>, vector<16xi32>,
      %gather3A_401 = tpu.vector_load_idx %arg9[%get3A_400] : memref<65544xf32, #tpu.memory_space<vmem>>[vector<16xi32>], vector<16xf32>,
      %max3A_402 = arith.maximumf %max3A_394, %gather3A_401 : vector<16xf32>
      %add3A_403 = arith.constant 8320 : i32
      %add3A_404 = arith.addi %multiple_of3A, %add3A_403 : i32
      %add3A_405 = arith.constant 80 : i32
      %add3A_406 = arith.addi %add3A_404, %add3A_405 : i32
      %get3A_407 = arith.index_cast %add3A_406 : i32 to index
      %get3A_408 = tpu.vector_load %arg10[%get3A_407] {strides = array<i32>} : memref<14976xi32, #tpu.memory_space<vmem>>, vector<16xi32>,
      %gather3A_409 = tpu.vector_load_idx %arg9[%get3A_408] : memref<65544xf32, #tpu.memory_space<vmem>>[vector<16xi32>], vector<16xf32>,
      %max3A_410 = arith.maximumf %max3A_402, %gather3A_409 : vector<16xf32>
      %add3A_411 = arith.constant 9984 : i32
      %add3A_412 = arith.addi %multiple_of3A, %add3A_411 : i32
      %add3A_413 = arith.constant 80 : i32
      %add3A_414 = arith.addi %add3A_412, %add3A_413 : i32
      %get3A_415 = arith.index_cast %add3A_414 : i32 to index
      %get3A_416 = tpu.vector_load %arg10[%get3A_415] {strides = array<i32>} : memref<14976xi32, #tpu.memory_space<vmem>>, vector<16xi32>,
      %gather3A_417 = tpu.vector_load_idx %arg9[%get3A_416] : memref<65544xf32, #tpu.memory_space<vmem>>[vector<16xi32>], vector<16xf32>,
      %max3A_418 = arith.maximumf %max3A_410, %gather3A_417 : vector<16xf32>
      %add3A_419 = arith.constant 11648 : i32
      %add3A_420 = arith.addi %multiple_of3A, %add3A_419 : i32
      %add3A_421 = arith.constant 80 : i32
      %add3A_422 = arith.addi %add3A_420, %add3A_421 : i32
      %get3A_423 = arith.index_cast %add3A_422 : i32 to index
      %get3A_424 = tpu.vector_load %arg10[%get3A_423] {strides = array<i32>} : memref<14976xi32, #tpu.memory_space<vmem>>, vector<16xi32>,
      %gather3A_425 = tpu.vector_load_idx %arg9[%get3A_424] : memref<65544xf32, #tpu.memory_space<vmem>>[vector<16xi32>], vector<16xf32>,
      %max3A_426 = arith.maximumf %max3A_418, %gather3A_425 : vector<16xf32>
      %add3A_427 = arith.constant 13312 : i32
      %add3A_428 = arith.addi %multiple_of3A, %add3A_427 : i32
      %add3A_429 = arith.constant 80 : i32
      %add3A_430 = arith.addi %add3A_428, %add3A_429 : i32
      %get3A_431 = arith.index_cast %add3A_430 : i32 to index
      %get3A_432 = tpu.vector_load %arg10[%get3A_431] {strides = array<i32>} : memref<14976xi32, #tpu.memory_space<vmem>>, vector<16xi32>,
      %gather3A_433 = tpu.vector_load_idx %arg9[%get3A_432] : memref<65544xf32, #tpu.memory_space<vmem>>[vector<16xi32>], vector<16xf32>,
      %max3A_434 = arith.maximumf %max3A_426, %gather3A_433 : vector<16xf32>
      %swap3A_435 = arith.constant 80 : index
      %swap3A_436 = tpu.vector_load %arg12[%swap3A_435] {strides = array<i32>} : memref<128xf32, #tpu.memory_space<vmem>>, vector<16xf32>,
      tpu.vector_store %arg12[%swap3A_435], %max3A_434 {strides = array<i32>} : memref<128xf32, #tpu.memory_space<vmem>>, vector<16xf32>,
      %add3A_437 = arith.constant 96 : i32
      %add3A_438 = arith.addi %multiple_of3A, %add3A_437 : i32
      %get3A_439 = arith.index_cast %add3A_438 : i32 to index
      %get3A_440 = tpu.vector_load %arg10[%get3A_439] {strides = array<i32>} : memref<14976xi32, #tpu.memory_space<vmem>>, vector<16xi32>,
      %gather3A_441 = tpu.vector_load_idx %arg9[%get3A_440] : memref<65544xf32, #tpu.memory_space<vmem>>[vector<16xi32>], vector<16xf32>,
      %add3A_442 = arith.constant 1664 : i32
      %add3A_443 = arith.addi %multiple_of3A, %add3A_442 : i32
      %add3A_444 = arith.constant 96 : i32
      %add3A_445 = arith.addi %add3A_443, %add3A_444 : i32
      %get3A_446 = arith.index_cast %add3A_445 : i32 to index
      %get3A_447 = tpu.vector_load %arg10[%get3A_446] {strides = array<i32>} : memref<14976xi32, #tpu.memory_space<vmem>>, vector<16xi32>,
      %gather3A_448 = tpu.vector_load_idx %arg9[%get3A_447] : memref<65544xf32, #tpu.memory_space<vmem>>[vector<16xi32>], vector<16xf32>,
      %max3A_449 = arith.maximumf %gather3A_441, %gather3A_448 : vector<16xf32>
      %add3A_450 = arith.constant 3328 : i32
      %add3A_451 = arith.addi %multiple_of3A, %add3A_450 : i32
      %add3A_452 = arith.constant 96 : i32
      %add3A_453 = arith.addi %add3A_451, %add3A_452 : i32
      %get3A_454 = arith.index_cast %add3A_453 : i32 to index
      %get3A_455 = tpu.vector_load %arg10[%get3A_454] {strides = array<i32>} : memref<14976xi32, #tpu.memory_space<vmem>>, vector<16xi32>,
      %gather3A_456 = tpu.vector_load_idx %arg9[%get3A_455] : memref<65544xf32, #tpu.memory_space<vmem>>[vector<16xi32>], vector<16xf32>,
      %max3A_457 = arith.maximumf %max3A_449, %gather3A_456 : vector<16xf32>
      %add3A_458 = arith.constant 4992 : i32
      %add3A_459 = arith.addi %multiple_of3A, %add3A_458 : i32
      %add3A_460 = arith.constant 96 : i32
      %add3A_461 = arith.addi %add3A_459, %add3A_460 : i32
      %get3A_462 = arith.index_cast %add3A_461 : i32 to index
      %get3A_463 = tpu.vector_load %arg10[%get3A_462] {strides = array<i32>} : memref<14976xi32, #tpu.memory_space<vmem>>, vector<16xi32>,
      %gather3A_464 = tpu.vector_load_idx %arg9[%get3A_463] : memref<65544xf32, #tpu.memory_space<vmem>>[vector<16xi32>], vector<16xf32>,
      %max3A_465 = arith.maximumf %max3A_457, %gather3A_464 : vector<16xf32>
      %add3A_466 = arith.constant 6656 : i32
      %add3A_467 = arith.addi %multiple_of3A, %add3A_466 : i32
      %add3A_468 = arith.constant 96 : i32
      %add3A_469 = arith.addi %add3A_467, %add3A_468 : i32
      %get3A_470 = arith.index_cast %add3A_469 : i32 to index
      %get3A_471 = tpu.vector_load %arg10[%get3A_470] {strides = array<i32>} : memref<14976xi32, #tpu.memory_space<vmem>>, vector<16xi32>,
      %gather3A_472 = tpu.vector_load_idx %arg9[%get3A_471] : memref<65544xf32, #tpu.memory_space<vmem>>[vector<16xi32>], vector<16xf32>,
      %max3A_473 = arith.maximumf %max3A_465, %gather3A_472 : vector<16xf32>
      %add3A_474 = arith.constant 8320 : i32
      %add3A_475 = arith.addi %multiple_of3A, %add3A_474 : i32
      %add3A_476 = arith.constant 96 : i32
      %add3A_477 = arith.addi %add3A_475, %add3A_476 : i32
      %get3A_478 = arith.index_cast %add3A_477 : i32 to index
      %get3A_479 = tpu.vector_load %arg10[%get3A_478] {strides = array<i32>} : memref<14976xi32, #tpu.memory_space<vmem>>, vector<16xi32>,
      %gather3A_480 = tpu.vector_load_idx %arg9[%get3A_479] : memref<65544xf32, #tpu.memory_space<vmem>>[vector<16xi32>], vector<16xf32>,
      %max3A_481 = arith.maximumf %max3A_473, %gather3A_480 : vector<16xf32>
      %add3A_482 = arith.constant 9984 : i32
      %add3A_483 = arith.addi %multiple_of3A, %add3A_482 : i32
      %add3A_484 = arith.constant 96 : i32
      %add3A_485 = arith.addi %add3A_483, %add3A_484 : i32
      %get3A_486 = arith.index_cast %add3A_485 : i32 to index
      %get3A_487 = tpu.vector_load %arg10[%get3A_486] {strides = array<i32>} : memref<14976xi32, #tpu.memory_space<vmem>>, vector<16xi32>,
      %gather3A_488 = tpu.vector_load_idx %arg9[%get3A_487] : memref<65544xf32, #tpu.memory_space<vmem>>[vector<16xi32>], vector<16xf32>,
      %max3A_489 = arith.maximumf %max3A_481, %gather3A_488 : vector<16xf32>
      %add3A_490 = arith.constant 11648 : i32
      %add3A_491 = arith.addi %multiple_of3A, %add3A_490 : i32
      %add3A_492 = arith.constant 96 : i32
      %add3A_493 = arith.addi %add3A_491, %add3A_492 : i32
      %get3A_494 = arith.index_cast %add3A_493 : i32 to index
      %get3A_495 = tpu.vector_load %arg10[%get3A_494] {strides = array<i32>} : memref<14976xi32, #tpu.memory_space<vmem>>, vector<16xi32>,
      %gather3A_496 = tpu.vector_load_idx %arg9[%get3A_495] : memref<65544xf32, #tpu.memory_space<vmem>>[vector<16xi32>], vector<16xf32>,
      %max3A_497 = arith.maximumf %max3A_489, %gather3A_496 : vector<16xf32>
      %add3A_498 = arith.constant 13312 : i32
      %add3A_499 = arith.addi %multiple_of3A, %add3A_498 : i32
      %add3A_500 = arith.constant 96 : i32
      %add3A_501 = arith.addi %add3A_499, %add3A_500 : i32
      %get3A_502 = arith.index_cast %add3A_501 : i32 to index
      %get3A_503 = tpu.vector_load %arg10[%get3A_502] {strides = array<i32>} : memref<14976xi32, #tpu.memory_space<vmem>>, vector<16xi32>,
      %gather3A_504 = tpu.vector_load_idx %arg9[%get3A_503] : memref<65544xf32, #tpu.memory_space<vmem>>[vector<16xi32>], vector<16xf32>,
      %max3A_505 = arith.maximumf %max3A_497, %gather3A_504 : vector<16xf32>
      %swap3A_506 = arith.constant 96 : index
      %swap3A_507 = tpu.vector_load %arg12[%swap3A_506] {strides = array<i32>} : memref<128xf32, #tpu.memory_space<vmem>>, vector<16xf32>,
      tpu.vector_store %arg12[%swap3A_506], %max3A_505 {strides = array<i32>} : memref<128xf32, #tpu.memory_space<vmem>>, vector<16xf32>,
      %add3A_508 = arith.constant 112 : i32
      %add3A_509 = arith.addi %multiple_of3A, %add3A_508 : i32
      %get3A_510 = arith.index_cast %add3A_509 : i32 to index
      %get3A_511 = tpu.vector_load %arg10[%get3A_510] {strides = array<i32>} : memref<14976xi32, #tpu.memory_space<vmem>>, vector<16xi32>,
      %gather3A_512 = tpu.vector_load_idx %arg9[%get3A_511] : memref<65544xf32, #tpu.memory_space<vmem>>[vector<16xi32>], vector<16xf32>,
      %add3A_513 = arith.constant 1664 : i32
      %add3A_514 = arith.addi %multiple_of3A, %add3A_513 : i32
      %add3A_515 = arith.constant 112 : i32
      %add3A_516 = arith.addi %add3A_514, %add3A_515 : i32
      %get3A_517 = arith.index_cast %add3A_516 : i32 to index
      %get3A_518 = tpu.vector_load %arg10[%get3A_517] {strides = array<i32>} : memref<14976xi32, #tpu.memory_space<vmem>>, vector<16xi32>,
      %gather3A_519 = tpu.vector_load_idx %arg9[%get3A_518] : memref<65544xf32, #tpu.memory_space<vmem>>[vector<16xi32>], vector<16xf32>,
      %max3A_520 = arith.maximumf %gather3A_512, %gather3A_519 : vector<16xf32>
      %add3A_521 = arith.constant 3328 : i32
      %add3A_522 = arith.addi %multiple_of3A, %add3A_521 : i32
      %add3A_523 = arith.constant 112 : i32
      %add3A_524 = arith.addi %add3A_522, %add3A_523 : i32
      %get3A_525 = arith.index_cast %add3A_524 : i32 to index
      %get3A_526 = tpu.vector_load %arg10[%get3A_525] {strides = array<i32>} : memref<14976xi32, #tpu.memory_space<vmem>>, vector<16xi32>,
      %gather3A_527 = tpu.vector_load_idx %arg9[%get3A_526] : memref<65544xf32, #tpu.memory_space<vmem>>[vector<16xi32>], vector<16xf32>,
      %max3A_528 = arith.maximumf %max3A_520, %gather3A_527 : vector<16xf32>
      %add3A_529 = arith.constant 4992 : i32
      %add3A_530 = arith.addi %multiple_of3A, %add3A_529 : i32
      %add3A_531 = arith.constant 112 : i32
      %add3A_532 = arith.addi %add3A_530, %add3A_531 : i32
      %get3A_533 = arith.index_cast %add3A_532 : i32 to index
      %get3A_534 = tpu.vector_load %arg10[%get3A_533] {strides = array<i32>} : memref<14976xi32, #tpu.memory_space<vmem>>, vector<16xi32>,
      %gather3A_535 = tpu.vector_load_idx %arg9[%get3A_534] : memref<65544xf32, #tpu.memory_space<vmem>>[vector<16xi32>], vector<16xf32>,
      %max3A_536 = arith.maximumf %max3A_528, %gather3A_535 : vector<16xf32>
      %add3A_537 = arith.constant 6656 : i32
      %add3A_538 = arith.addi %multiple_of3A, %add3A_537 : i32
      %add3A_539 = arith.constant 112 : i32
      %add3A_540 = arith.addi %add3A_538, %add3A_539 : i32
      %get3A_541 = arith.index_cast %add3A_540 : i32 to index
      %get3A_542 = tpu.vector_load %arg10[%get3A_541] {strides = array<i32>} : memref<14976xi32, #tpu.memory_space<vmem>>, vector<16xi32>,
      %gather3A_543 = tpu.vector_load_idx %arg9[%get3A_542] : memref<65544xf32, #tpu.memory_space<vmem>>[vector<16xi32>], vector<16xf32>,
      %max3A_544 = arith.maximumf %max3A_536, %gather3A_543 : vector<16xf32>
      %add3A_545 = arith.constant 8320 : i32
      %add3A_546 = arith.addi %multiple_of3A, %add3A_545 : i32
      %add3A_547 = arith.constant 112 : i32
      %add3A_548 = arith.addi %add3A_546, %add3A_547 : i32
      %get3A_549 = arith.index_cast %add3A_548 : i32 to index
      %get3A_550 = tpu.vector_load %arg10[%get3A_549] {strides = array<i32>} : memref<14976xi32, #tpu.memory_space<vmem>>, vector<16xi32>,
      %gather3A_551 = tpu.vector_load_idx %arg9[%get3A_550] : memref<65544xf32, #tpu.memory_space<vmem>>[vector<16xi32>], vector<16xf32>,
      %max3A_552 = arith.maximumf %max3A_544, %gather3A_551 : vector<16xf32>
      %add3A_553 = arith.constant 9984 : i32
      %add3A_554 = arith.addi %multiple_of3A, %add3A_553 : i32
      %add3A_555 = arith.constant 112 : i32
      %add3A_556 = arith.addi %add3A_554, %add3A_555 : i32
      %get3A_557 = arith.index_cast %add3A_556 : i32 to index
      %get3A_558 = tpu.vector_load %arg10[%get3A_557] {strides = array<i32>} : memref<14976xi32, #tpu.memory_space<vmem>>, vector<16xi32>,
      %gather3A_559 = tpu.vector_load_idx %arg9[%get3A_558] : memref<65544xf32, #tpu.memory_space<vmem>>[vector<16xi32>], vector<16xf32>,
      %max3A_560 = arith.maximumf %max3A_552, %gather3A_559 : vector<16xf32>
      %add3A_561 = arith.constant 11648 : i32
      %add3A_562 = arith.addi %multiple_of3A, %add3A_561 : i32
      %add3A_563 = arith.constant 112 : i32
      %add3A_564 = arith.addi %add3A_562, %add3A_563 : i32
      %get3A_565 = arith.index_cast %add3A_564 : i32 to index
      %get3A_566 = tpu.vector_load %arg10[%get3A_565] {strides = array<i32>} : memref<14976xi32, #tpu.memory_space<vmem>>, vector<16xi32>,
      %gather3A_567 = tpu.vector_load_idx %arg9[%get3A_566] : memref<65544xf32, #tpu.memory_space<vmem>>[vector<16xi32>], vector<16xf32>,
      %max3A_568 = arith.maximumf %max3A_560, %gather3A_567 : vector<16xf32>
      %add3A_569 = arith.constant 13312 : i32
      %add3A_570 = arith.addi %multiple_of3A, %add3A_569 : i32
      %add3A_571 = arith.constant 112 : i32
      %add3A_572 = arith.addi %add3A_570, %add3A_571 : i32
      %get3A_573 = arith.index_cast %add3A_572 : i32 to index
      %get3A_574 = tpu.vector_load %arg10[%get3A_573] {strides = array<i32>} : memref<14976xi32, #tpu.memory_space<vmem>>, vector<16xi32>,
      %gather3A_575 = tpu.vector_load_idx %arg9[%get3A_574] : memref<65544xf32, #tpu.memory_space<vmem>>[vector<16xi32>], vector<16xf32>,
      %max3A_576 = arith.maximumf %max3A_568, %gather3A_575 : vector<16xf32>
      %swap3A_577 = arith.constant 112 : index
      %swap3A_578 = tpu.vector_load %arg12[%swap3A_577] {strides = array<i32>} : memref<128xf32, #tpu.memory_space<vmem>>, vector<16xf32>,
      tpu.vector_store %arg12[%swap3A_577], %max3A_576 {strides = array<i32>} : memref<128xf32, #tpu.memory_space<vmem>>, vector<16xf32>,
      "tpu.region"() ({
        %run_scoped3A = tpu.sem_alloc : memref<!tpu.dma_semaphore, #tpu.memory_space<semaphore_mem>>
        %dma_start3A = arith.constant 0 : i32
        %dma_start3A_579 = tpu.memref_slice %arg11[%scan3A_12, %dma_start3A] : memref<13x128xi32, #tpu.memory_space<vmem>> -> memref<1x128xi32, #tpu.memory_space<vmem>>
        %dma_start3A_580 = tpu.memref_squeeze %dma_start3A_579 : memref<1x128xi32, #tpu.memory_space<vmem>> -> memref<128xi32, #tpu.memory_space<vmem>>
        %dma_start3A_581 = arith.constant 0 : i32
        %dma_start3A_582 = tpu.memref_slice %arg15[%dma_start3A_581] : memref<107520xf32, #tpu.memory_space<vmem_shared>> -> memref<107520xf32, #tpu.memory_space<vmem_shared>>
        tpu.enqueue_indirect_dma source(%arg12 : memref<128xf32, #tpu.memory_space<vmem>>) target(%dma_start3A_582 : memref<107520xf32, #tpu.memory_space<vmem_shared>>) offsets(%dma_start3A_580 : memref<128xi32, #tpu.memory_space<vmem>>) semaphore(%run_scoped3A : memref<!tpu.dma_semaphore, #tpu.memory_space<semaphore_mem>>) {add = true}
        %dma_wait3A = arith.constant 0 : i32
        %dma_wait3A_583 = tpu.memref_slice %arg11[%scan3A_12, %dma_wait3A] : memref<13x128xi32, #tpu.memory_space<vmem>> -> memref<1x128xi32, #tpu.memory_space<vmem>>
        %dma_wait3A_584 = tpu.memref_squeeze %dma_wait3A_583 : memref<1x128xi32, #tpu.memory_space<vmem>> -> memref<128xi32, #tpu.memory_space<vmem>>
        %dma_wait3A_585 = arith.constant 0 : i32
        %dma_wait3A_586 = tpu.memref_slice %arg15[%dma_wait3A_585] : memref<107520xf32, #tpu.memory_space<vmem_shared>> -> memref<107520xf32, #tpu.memory_space<vmem_shared>>
        tpu.wait_indirect_dma semaphore(%run_scoped3A : memref<!tpu.dma_semaphore, #tpu.memory_space<semaphore_mem>>) src(%arg12 : memref<128xf32, #tpu.memory_space<vmem>>) dst(%dma_wait3A_586 : memref<107520xf32, #tpu.memory_space<vmem_shared>>)
        tpu.yield
      }) : () -> ()
      "tpu.region"() ({
        %run_scoped3A = tpu.sem_alloc : memref<!tpu.dma_semaphore, #tpu.memory_space<semaphore_mem>>
        %dma_start3A = arith.constant 0 : i32
        %dma_start3A_579 = tpu.memref_slice %arg11[%scan3A_12, %dma_start3A] : memref<13x128xi32, #tpu.memory_space<vmem>> -> memref<1x128xi32, #tpu.memory_space<vmem>>
        %dma_start3A_580 = tpu.memref_squeeze %dma_start3A_579 : memref<1x128xi32, #tpu.memory_space<vmem>> -> memref<128xi32, #tpu.memory_space<vmem>>
        %dma_start3A_581 = arith.constant 0 : i32
        %dma_start3A_582 = tpu.memref_slice %arg16[%dma_start3A_581] : memref<107520xf32, #tpu.memory_space<vmem_shared>> -> memref<107520xf32, #tpu.memory_space<vmem_shared>>
        tpu.enqueue_indirect_dma source(%arg13 : memref<128xf32, #tpu.memory_space<vmem>>) target(%dma_start3A_582 : memref<107520xf32, #tpu.memory_space<vmem_shared>>) offsets(%dma_start3A_580 : memref<128xi32, #tpu.memory_space<vmem>>) semaphore(%run_scoped3A : memref<!tpu.dma_semaphore, #tpu.memory_space<semaphore_mem>>) {add = true}
        %dma_wait3A = arith.constant 0 : i32
        %dma_wait3A_583 = tpu.memref_slice %arg11[%scan3A_12, %dma_wait3A] : memref<13x128xi32, #tpu.memory_space<vmem>> -> memref<1x128xi32, #tpu.memory_space<vmem>>
        %dma_wait3A_584 = tpu.memref_squeeze %dma_wait3A_583 : memref<1x128xi32, #tpu.memory_space<vmem>> -> memref<128xi32, #tpu.memory_space<vmem>>
        %dma_wait3A_585 = arith.constant 0 : i32
        %dma_wait3A_586 = tpu.memref_slice %arg16[%dma_wait3A_585] : memref<107520xf32, #tpu.memory_space<vmem_shared>> -> memref<107520xf32, #tpu.memory_space<vmem_shared>>
        tpu.wait_indirect_dma semaphore(%run_scoped3A : memref<!tpu.dma_semaphore, #tpu.memory_space<semaphore_mem>>) src(%arg13 : memref<128xf32, #tpu.memory_space<vmem>>) dst(%dma_wait3A_586 : memref<107520xf32, #tpu.memory_space<vmem_shared>>)
        tpu.yield
      }) : () -> ()
    }
    %scan3A_7 = arith.constant 13 : i32
    %barrier3A_8 = arith.constant 0 : index
    tpu.barrier barrier_id(%barrier3A_8)
    %mul3A_9 = arith.constant 107520 : i32
    %mul3A_10 = arith.muli %arg0, %mul3A_9 : i32
    %add3A_11 = arith.addi %mul3A_10, %mul3A_2 : i32
    "tpu.region"() ({
      %run_scoped3A = tpu.sem_alloc : memref<!tpu.dma_semaphore, #tpu.memory_space<semaphore_mem>>
      %dma_start3A = tpu.memref_slice %arg15[%mul3A_2] : memref<107520xf32, #tpu.memory_space<vmem_shared>> -> memref<6720xf32, #tpu.memory_space<vmem_shared>>
      %dma_start3A_12 = tpu.memref_slice %arg15[%mul3A_2] : memref<107520xf32, #tpu.memory_space<vmem_shared>> -> memref<6720xf32, #tpu.memory_space<vmem_shared>>
      tpu.enqueue_dma source(%dma_start3A_12 : memref<6720xf32, #tpu.memory_space<vmem_shared>>) target(%arg14 : memref<6720xf32, #tpu.memory_space<vmem>>) target_semaphore(%run_scoped3A : memref<!tpu.dma_semaphore, #tpu.memory_space<semaphore_mem>>)
      %dma_wait3A = tpu.memref_slice %arg15[%mul3A_2] : memref<107520xf32, #tpu.memory_space<vmem_shared>> -> memref<6720xf32, #tpu.memory_space<vmem_shared>>
      %dma_wait3A_13 = tpu.memref_slice %arg15[%mul3A_2] : memref<107520xf32, #tpu.memory_space<vmem_shared>> -> memref<6720xf32, #tpu.memory_space<vmem_shared>>
      tpu.wait_dma2 semaphore(%run_scoped3A : memref<!tpu.dma_semaphore, #tpu.memory_space<semaphore_mem>>) src(%dma_wait3A_13 : memref<6720xf32, #tpu.memory_space<vmem_shared>>) dst(%arg14 : memref<6720xf32, #tpu.memory_space<vmem>>)
      tpu.yield
    }) : () -> ()
    "tpu.region"() ({
      %run_scoped3A = tpu.sem_alloc : memref<!tpu.dma_semaphore, #tpu.memory_space<semaphore_mem>>
      %dma_start3A = tpu.memref_slice %arg7[%add3A_11] : memref<215040xf32, #tpu.memory_space<hbm>> -> memref<6720xf32, #tpu.memory_space<hbm>>
      %dma_start3A_12 = tpu.memref_slice %arg7[%add3A_11] : memref<215040xf32, #tpu.memory_space<hbm>> -> memref<6720xf32, #tpu.memory_space<hbm>>
      tpu.enqueue_dma source(%arg14 : memref<6720xf32, #tpu.memory_space<vmem>>) target(%dma_start3A_12 : memref<6720xf32, #tpu.memory_space<hbm>>) target_semaphore(%run_scoped3A : memref<!tpu.dma_semaphore, #tpu.memory_space<semaphore_mem>>)
      %dma_wait3A = tpu.memref_slice %arg7[%add3A_11] : memref<215040xf32, #tpu.memory_space<hbm>> -> memref<6720xf32, #tpu.memory_space<hbm>>
      %dma_wait3A_13 = tpu.memref_slice %arg7[%add3A_11] : memref<215040xf32, #tpu.memory_space<hbm>> -> memref<6720xf32, #tpu.memory_space<hbm>>
      tpu.wait_dma2 semaphore(%run_scoped3A : memref<!tpu.dma_semaphore, #tpu.memory_space<semaphore_mem>>) src(%arg14 : memref<6720xf32, #tpu.memory_space<vmem>>) dst(%dma_wait3A_13 : memref<6720xf32, #tpu.memory_space<hbm>>)
      tpu.yield
    }) : () -> ()
    "tpu.region"() ({
      %run_scoped3A = tpu.sem_alloc : memref<!tpu.dma_semaphore, #tpu.memory_space<semaphore_mem>>
      %dma_start3A = tpu.memref_slice %arg16[%mul3A_2] : memref<107520xf32, #tpu.memory_space<vmem_shared>> -> memref<6720xf32, #tpu.memory_space<vmem_shared>>
      %dma_start3A_12 = tpu.memref_slice %arg16[%mul3A_2] : memref<107520xf32, #tpu.memory_space<vmem_shared>> -> memref<6720xf32, #tpu.memory_space<vmem_shared>>
      tpu.enqueue_dma source(%dma_start3A_12 : memref<6720xf32, #tpu.memory_space<vmem_shared>>) target(%arg14 : memref<6720xf32, #tpu.memory_space<vmem>>) target_semaphore(%run_scoped3A : memref<!tpu.dma_semaphore, #tpu.memory_space<semaphore_mem>>)
      %dma_wait3A = tpu.memref_slice %arg16[%mul3A_2] : memref<107520xf32, #tpu.memory_space<vmem_shared>> -> memref<6720xf32, #tpu.memory_space<vmem_shared>>
      %dma_wait3A_13 = tpu.memref_slice %arg16[%mul3A_2] : memref<107520xf32, #tpu.memory_space<vmem_shared>> -> memref<6720xf32, #tpu.memory_space<vmem_shared>>
      tpu.wait_dma2 semaphore(%run_scoped3A : memref<!tpu.dma_semaphore, #tpu.memory_space<semaphore_mem>>) src(%dma_wait3A_13 : memref<6720xf32, #tpu.memory_space<vmem_shared>>) dst(%arg14 : memref<6720xf32, #tpu.memory_space<vmem>>)
      tpu.yield
    }) : () -> ()
    "tpu.region"() ({
      %run_scoped3A = tpu.sem_alloc : memref<!tpu.dma_semaphore, #tpu.memory_space<semaphore_mem>>
      %dma_start3A = tpu.memref_slice %arg8[%add3A_11] : memref<215040xf32, #tpu.memory_space<hbm>> -> memref<6720xf32, #tpu.memory_space<hbm>>
      %dma_start3A_12 = tpu.memref_slice %arg8[%add3A_11] : memref<215040xf32, #tpu.memory_space<hbm>> -> memref<6720xf32, #tpu.memory_space<hbm>>
      tpu.enqueue_dma source(%arg14 : memref<6720xf32, #tpu.memory_space<vmem>>) target(%dma_start3A_12 : memref<6720xf32, #tpu.memory_space<hbm>>) target_semaphore(%run_scoped3A : memref<!tpu.dma_semaphore, #tpu.memory_space<semaphore_mem>>)
      %dma_wait3A = tpu.memref_slice %arg8[%add3A_11] : memref<215040xf32, #tpu.memory_space<hbm>> -> memref<6720xf32, #tpu.memory_space<hbm>>
      %dma_wait3A_13 = tpu.memref_slice %arg8[%add3A_11] : memref<215040xf32, #tpu.memory_space<hbm>> -> memref<6720xf32, #tpu.memory_space<hbm>>
      tpu.wait_dma2 semaphore(%run_scoped3A : memref<!tpu.dma_semaphore, #tpu.memory_space<semaphore_mem>>) src(%arg14 : memref<6720xf32, #tpu.memory_space<vmem>>) dst(%dma_wait3A_13 : memref<6720xf32, #tpu.memory_space<hbm>>)
      tpu.yield
    }) : () -> ()
    return
  }
}

module attributes {stable_mosaic.version = 14 : i64} {
  func.func @_k1_body(%arg0: i32, %arg1: memref<2432x25xf32, #tpu.memory_space<vmem>>, %arg2: memref<2432x8xf32, #tpu.memory_space<vmem>>, %arg3: memref<25x160xf32, #tpu.memory_space<vmem>>, %arg4: memref<2432x160xf32, #tpu.memory_space<vmem>>, %arg5: memref<8x160xf32, #tpu.memory_space<vmem>>) attributes {dimension_semantics = [#tpu.dimension_semantics<arbitrary>], iteration_bounds = array<i64: 44>, scalar_prefetch = 0 : i64, scratch_operands = 0 : i64, tpu.core_type = #tpu.core_type<tc>, window_params = [{transform_indices = @transform_0, window_bounds = array<i64: 2432, 25>}, {transform_indices = @transform_1, window_bounds = array<i64: 2432, 8>}, {pipeline_mode = #tpu.pipeline_mode<synchronous>, transform_indices = @transform_2, window_bounds = array<i64: 25, 160>}, {transform_indices = @transform_3, window_bounds = array<i64: 2432, 160>}, {pipeline_mode = #tpu.pipeline_mode<synchronous>, transform_indices = @transform_4, window_bounds = array<i64: 8, 160>}]} {
    %get3A = arith.constant 0 : index
    %get3A_0 = arith.constant 0 : index
    %get3A_1 = vector.load %arg1[%get3A, %get3A_0] : memref<2432x25xf32, #tpu.memory_space<vmem>>, vector<2432x25xf32>
    %get3A_2 = arith.constant 0 : index
    %get3A_3 = arith.constant 0 : index
    %get3A_4 = vector.load %arg3[%get3A_2, %get3A_3] : memref<25x160xf32, #tpu.memory_space<vmem>>, vector<25x160xf32>
    %dot_general3A = arith.constant dense<0.000000e+00> : vector<2432x160xf32>
    %dot_general3A_5 = tpu.matmul %get3A_1, %get3A_4, %dot_general3A {dimension_numbers = #tpu.dot_dimension_numbers<[1], [0], [0], [1], [0, 0, 1, 1], [], []>, transpose_lhs_hint = false} : vector<2432x25xf32>, vector<25x160xf32>, vector<2432x160xf32> -> vector<2432x160xf32>
    %get3A_6 = arith.constant 0 : index
    %get3A_7 = arith.constant 0 : index
    %get3A_8 = vector.load %arg2[%get3A_6, %get3A_7] : memref<2432x8xf32, #tpu.memory_space<vmem>>, vector<2432x8xf32>
    %reduce_max3A = arith.constant dense<0xFF800000> : vector<2432xf32>
    %reduce_max3A_9 = vector.multi_reduction <maximumf>, %get3A_8, %reduce_max3A [1] : vector<2432x8xf32> to vector<2432xf32>
    %broadcast_in_dim3A = vector.shape_cast %reduce_max3A_9 : vector<2432xf32> to vector<2432x1xf32>
    %eq3A = arith.constant 0 : i32
    %eq3A_10 = arith.cmpi eq, %arg0, %eq3A : i32
    %convert_element_type3A = arith.extui %eq3A_10 : i1 to i32
    %cond3A = arith.constant 0 : i32
    %cond3A_11 = arith.cmpi ne, %convert_element_type3A, %cond3A : i32
    scf.if %cond3A_11 {
      %broadcast_in_dim3A_43 = arith.constant 0.000000e+00 : f32
      %broadcast_in_dim3A_44 = vector.broadcast %broadcast_in_dim3A_43 : f32 to vector<8x160xf32>
      %swap3A_45 = arith.constant 0 : index
      %swap3A_46 = arith.constant 0 : index
      %swap3A_47 = vector.load %arg5[%swap3A_45, %swap3A_46] : memref<8x160xf32, #tpu.memory_space<vmem>>, vector<8x160xf32>
      tpu.vector_store %arg5[%swap3A_45, %swap3A_46], %broadcast_in_dim3A_44 {strides = array<i32>} : memref<8x160xf32, #tpu.memory_space<vmem>>, vector<8x160xf32>,
    } else {
    }
    %mul3A = vector.broadcast %broadcast_in_dim3A : vector<2432x1xf32> to vector<2432x160xf32>
    %mul3A_12 = arith.mulf %dot_general3A_5, %mul3A : vector<2432x160xf32>
    %get3A_13 = arith.constant 0 : index
    %get3A_14 = arith.constant 0 : index
    %get3A_15 = vector.load %arg5[%get3A_13, %get3A_14] : memref<8x160xf32, #tpu.memory_space<vmem>>, vector<1x160xf32>
    %reduce_sum3A = arith.constant dense<0.000000e+00> : vector<160xf32>
    %reduce_sum3A_16 = vector.multi_reduction <add>, %mul3A_12, %reduce_sum3A [0] : vector<2432x160xf32> to vector<160xf32>
    %broadcast_in_dim3A_17 = vector.shape_cast %reduce_sum3A_16 : vector<160xf32> to vector<1x160xf32>
    %add3A = arith.addf %get3A_15, %broadcast_in_dim3A_17 : vector<1x160xf32>
    %swap3A = arith.constant 0 : index
    %swap3A_18 = arith.constant 0 : index
    %swap3A_19 = vector.load %arg5[%swap3A, %swap3A_18] : memref<8x160xf32, #tpu.memory_space<vmem>>, vector<1x160xf32>
    tpu.vector_store %arg5[%swap3A, %swap3A_18], %add3A {strides = array<i32>} : memref<8x160xf32, #tpu.memory_space<vmem>>, vector<1x160xf32>,
    %get3A_20 = arith.constant 1 : index
    %get3A_21 = arith.constant 0 : index
    %get3A_22 = vector.load %arg5[%get3A_20, %get3A_21] : memref<8x160xf32, #tpu.memory_space<vmem>>, vector<1x160xf32>
    %mul3A_23 = arith.mulf %mul3A_12, %dot_general3A_5 : vector<2432x160xf32>
    %reduce_sum3A_24 = arith.constant dense<0.000000e+00> : vector<160xf32>
    %reduce_sum3A_25 = vector.multi_reduction <add>, %mul3A_23, %reduce_sum3A_24 [0] : vector<2432x160xf32> to vector<160xf32>
    %broadcast_in_dim3A_26 = vector.shape_cast %reduce_sum3A_25 : vector<160xf32> to vector<1x160xf32>
    %add3A_27 = arith.addf %get3A_22, %broadcast_in_dim3A_26 : vector<1x160xf32>
    %swap3A_28 = arith.constant 1 : index
    %swap3A_29 = arith.constant 0 : index
    %swap3A_30 = vector.load %arg5[%swap3A_28, %swap3A_29] : memref<8x160xf32, #tpu.memory_space<vmem>>, vector<1x160xf32>
    tpu.vector_store %arg5[%swap3A_28, %swap3A_29], %add3A_27 {strides = array<i32>} : memref<8x160xf32, #tpu.memory_space<vmem>>, vector<1x160xf32>,
    %mul3A_31 = vector.broadcast %broadcast_in_dim3A : vector<2432x1xf32> to vector<2432x160xf32>
    %mul3A_32 = arith.mulf %dot_general3A_5, %mul3A_31 : vector<2432x160xf32>
    %sub3A = arith.constant 1.000000e+00 : f32
    %sub3A_33 = vector.broadcast %sub3A : f32 to vector<2432x1xf32>
    %sub3A_34 = arith.subf %broadcast_in_dim3A, %sub3A_33 : vector<2432x1xf32>
    %mul3A_35 = arith.constant 1.000000e+30 : f32
    %mul3A_36 = vector.broadcast %mul3A_35 : f32 to vector<2432x1xf32>
    %mul3A_37 = arith.mulf %sub3A_34, %mul3A_36 : vector<2432x1xf32>
    %add3A_38 = vector.broadcast %mul3A_37 : vector<2432x1xf32> to vector<2432x160xf32>
    %add3A_39 = arith.addf %mul3A_32, %add3A_38 : vector<2432x160xf32>
    %swap3A_40 = arith.constant 0 : index
    %swap3A_41 = arith.constant 0 : index
    %swap3A_42 = vector.load %arg4[%swap3A_40, %swap3A_41] : memref<2432x160xf32, #tpu.memory_space<vmem>>, vector<2432x160xf32>
    tpu.vector_store %arg4[%swap3A_40, %swap3A_41], %add3A_39 {strides = array<i32>} : memref<2432x160xf32, #tpu.memory_space<vmem>>, vector<2432x160xf32>,
    return
  }
  func.func @transform_0(%arg0: i32) -> (i32, i32) {
    %c0_i32 = arith.constant 0 : i32
    %c0_i32_0 = arith.constant 0 : i32
    return %arg0, %c0_i32 : i32, i32
  }
  func.func @transform_1(%arg0: i32) -> (i32, i32) {
    %c0_i32 = arith.constant 0 : i32
    %c0_i32_0 = arith.constant 0 : i32
    return %arg0, %c0_i32 : i32, i32
  }
  func.func @transform_2(%arg0: i32) -> (i32, i32) {
    %c0_i32 = arith.constant 0 : i32
    %c0_i32_0 = arith.constant 0 : i32
    %c0_i32_1 = arith.constant 0 : i32
    return %c0_i32, %c0_i32_0 : i32, i32
  }
  func.func @transform_3(%arg0: i32) -> (i32, i32) {
    %c0_i32 = arith.constant 0 : i32
    %c0_i32_0 = arith.constant 0 : i32
    return %arg0, %c0_i32 : i32, i32
  }
  func.func @transform_4(%arg0: i32) -> (i32, i32) {
    %c0_i32 = arith.constant 0 : i32
    %c0_i32_0 = arith.constant 0 : i32
    %c0_i32_1 = arith.constant 0 : i32
    return %c0_i32, %c0_i32_0 : i32, i32
  }
}

module attributes {stable_mosaic.version = 14 : i64} {
  func.func @body(%arg0: i32, %arg1: memref<8x612x64xf32, #tpu.memory_space<vmem>>, %arg2: memref<8x612x64xf32, #tpu.memory_space<vmem>>, %arg3: memref<5x320x64xbf16, #tpu.memory_space<vmem>>, %arg4: memref<1x1x64xf32, #tpu.memory_space<vmem>>, %arg5: memref<1x1x64xf32, #tpu.memory_space<vmem>>, %arg6: memref<4864x8xf32, #tpu.memory_space<vmem>>, %arg7: memref<4864x64xf32, #tpu.memory_space<vmem>>, %arg8: memref<8x64xf32, #tpu.memory_space<vmem>>) attributes {dimension_semantics = [#tpu.dimension_semantics<arbitrary>], iteration_bounds = array<i64: 22>, scalar_prefetch = 0 : i64, scratch_operands = 0 : i64, tpu.core_type = #tpu.core_type<tc>, window_params = [{transform_indices = @transform_0, window_bounds = array<i64: 8, 612, 64>}, {transform_indices = @transform_1, window_bounds = array<i64: 8, 612, 64>}, {pipeline_mode = #tpu.pipeline_mode<synchronous>, transform_indices = @transform_2, window_bounds = array<i64: 5, 320, 64>}, {pipeline_mode = #tpu.pipeline_mode<synchronous>, transform_indices = @transform_3, window_bounds = array<i64: 1, 1, 64>}, {pipeline_mode = #tpu.pipeline_mode<synchronous>, transform_indices = @transform_4, window_bounds = array<i64: 1, 1, 64>}, {transform_indices = @transform_5, window_bounds = array<i64: 4864, 8>}, {transform_indices = @transform_6, window_bounds = array<i64: 4864, 64>}, {pipeline_mode = #tpu.pipeline_mode<synchronous>, transform_indices = @transform_7, window_bounds = array<i64: 8, 64>}]} {
    %get3A = arith.constant 0 : index
    %get3A_0 = arith.constant 0 : index
    %get3A_1 = arith.constant 0 : index
    %get3A_2 = vector.load %arg1[%get3A, %get3A_0, %get3A_1] : memref<8x612x64xf32, #tpu.memory_space<vmem>>, vector<8x612x64xf32>
    %get3A_3 = arith.constant 0 : index
    %get3A_4 = arith.constant 0 : index
    %get3A_5 = arith.constant 0 : index
    %get3A_6 = vector.load %arg2[%get3A_3, %get3A_4, %get3A_5] : memref<8x612x64xf32, #tpu.memory_space<vmem>>, vector<8x612x64xf32>
    %concatenate3A = tpu.concatenate %get3A_2, %get3A_6 in 0 : vector<8x612x64xf32>, vector<8x612x64xf32> -> vector<16x612x64xf32>
    %get3A_7 = arith.constant 0 : index
    %get3A_8 = arith.constant 0 : index
    %get3A_9 = arith.constant 0 : index
    %get3A_10 = vector.load %arg4[%get3A_7, %get3A_8, %get3A_9] : memref<1x1x64xf32, #tpu.memory_space<vmem>>, vector<1x1x64xf32>
    %mul3A = vector.broadcast %get3A_10 : vector<1x1x64xf32> to vector<16x612x64xf32>
    %mul3A_11 = arith.mulf %concatenate3A, %mul3A : vector<16x612x64xf32>
    %get3A_12 = arith.constant 0 : index
    %get3A_13 = arith.constant 0 : index
    %get3A_14 = arith.constant 0 : index
    %get3A_15 = vector.load %arg5[%get3A_12, %get3A_13, %get3A_14] : memref<1x1x64xf32, #tpu.memory_space<vmem>>, vector<1x1x64xf32>
    %add3A = vector.broadcast %get3A_15 : vector<1x1x64xf32> to vector<16x612x64xf32>
    %add3A_16 = arith.addf %mul3A_11, %add3A : vector<16x612x64xf32>
    %max3A = arith.constant 0.000000e+00 : f32
    %max3A_17 = vector.broadcast %max3A : f32 to vector<16x612x64xf32>
    %max3A_18 = arith.maximumf %add3A_16, %max3A_17 : vector<16x612x64xf32>
    %broadcast_in_dim3A = arith.constant 0.000000e+00 : f32
    %broadcast_in_dim3A_19 = vector.broadcast %broadcast_in_dim3A : f32 to vector<4864x64xf32>
    %slice3A = vector.extract_strided_slice %max3A_18 {offsets = [0, 0, 0], sizes = [8, 608, 64], strides = [1, 1, 1]} : vector<16x612x64xf32> to vector<8x608x64xf32>
    %slice3A_20 = vector.extract_strided_slice %max3A_18 {offsets = [0, 1, 0], sizes = [8, 608, 64], strides = [1, 1, 1]} : vector<16x612x64xf32> to vector<8x608x64xf32>
    %slice3A_21 = vector.extract_strided_slice %max3A_18 {offsets = [0, 2, 0], sizes = [8, 608, 64], strides = [1, 1, 1]} : vector<16x612x64xf32> to vector<8x608x64xf32>
    %slice3A_22 = vector.extract_strided_slice %max3A_18 {offsets = [0, 3, 0], sizes = [8, 608, 64], strides = [1, 1, 1]} : vector<16x612x64xf32> to vector<8x608x64xf32>
    %slice3A_23 = vector.extract_strided_slice %max3A_18 {offsets = [0, 4, 0], sizes = [8, 608, 64], strides = [1, 1, 1]} : vector<16x612x64xf32> to vector<8x608x64xf32>
    %concatenate3A_24 = tpu.concatenate %slice3A, %slice3A_20, %slice3A_21, %slice3A_22, %slice3A_23 in 2 : vector<8x608x64xf32>, vector<8x608x64xf32>, vector<8x608x64xf32>, vector<8x608x64xf32>, vector<8x608x64xf32> -> vector<8x608x320xf32>
    %reshape3A = vector.shape_cast %concatenate3A_24 : vector<8x608x320xf32> to vector<4864x320xf32>
    %convert_element_type3A = arith.truncf %reshape3A : vector<4864x320xf32> to vector<4864x320xbf16>
    %get3A_25 = arith.constant 0 : index
    %get3A_26 = arith.constant 0 : index
    %get3A_27 = arith.constant 0 : index
    %get3A_28 = vector.load %arg3[%get3A_25, %get3A_26, %get3A_27] : memref<5x320x64xbf16, #tpu.memory_space<vmem>>, vector<1x320x64xbf16>
    %get3A_29 = vector.shape_cast %get3A_28 : vector<1x320x64xbf16> to vector<320x64xbf16>
    %dot_general3A = arith.constant dense<0.000000e+00> : vector<4864x64xf32>
    %dot_general3A_30 = tpu.matmul %convert_element_type3A, %get3A_29, %dot_general3A {dimension_numbers = #tpu.dot_dimension_numbers<[1], [0], [0], [1], [0, 0, 1, 1], [], []>, transpose_lhs_hint = false} : vector<4864x320xbf16>, vector<320x64xbf16>, vector<4864x64xf32> -> vector<4864x64xf32>
    %add3A_31 = arith.addf %broadcast_in_dim3A_19, %dot_general3A_30 : vector<4864x64xf32>
    %slice3A_32 = vector.extract_strided_slice %max3A_18 {offsets = [1, 0, 0], sizes = [8, 608, 64], strides = [1, 1, 1]} : vector<16x612x64xf32> to vector<8x608x64xf32>
    %slice3A_33 = vector.extract_strided_slice %max3A_18 {offsets = [1, 1, 0], sizes = [8, 608, 64], strides = [1, 1, 1]} : vector<16x612x64xf32> to vector<8x608x64xf32>
    %slice3A_34 = vector.extract_strided_slice %max3A_18 {offsets = [1, 2, 0], sizes = [8, 608, 64], strides = [1, 1, 1]} : vector<16x612x64xf32> to vector<8x608x64xf32>
    %slice3A_35 = vector.extract_strided_slice %max3A_18 {offsets = [1, 3, 0], sizes = [8, 608, 64], strides = [1, 1, 1]} : vector<16x612x64xf32> to vector<8x608x64xf32>
    %slice3A_36 = vector.extract_strided_slice %max3A_18 {offsets = [1, 4, 0], sizes = [8, 608, 64], strides = [1, 1, 1]} : vector<16x612x64xf32> to vector<8x608x64xf32>
    %concatenate3A_37 = tpu.concatenate %slice3A_32, %slice3A_33, %slice3A_34, %slice3A_35, %slice3A_36 in 2 : vector<8x608x64xf32>, vector<8x608x64xf32>, vector<8x608x64xf32>, vector<8x608x64xf32>, vector<8x608x64xf32> -> vector<8x608x320xf32>
    %reshape3A_38 = vector.shape_cast %concatenate3A_37 : vector<8x608x320xf32> to vector<4864x320xf32>
    %convert_element_type3A_39 = arith.truncf %reshape3A_38 : vector<4864x320xf32> to vector<4864x320xbf16>
    %get3A_40 = arith.constant 1 : index
    %get3A_41 = arith.constant 0 : index
    %get3A_42 = arith.constant 0 : index
    %get3A_43 = vector.load %arg3[%get3A_40, %get3A_41, %get3A_42] : memref<5x320x64xbf16, #tpu.memory_space<vmem>>, vector<1x320x64xbf16>
    %get3A_44 = vector.shape_cast %get3A_43 : vector<1x320x64xbf16> to vector<320x64xbf16>
    %dot_general3A_45 = arith.constant dense<0.000000e+00> : vector<4864x64xf32>
    %dot_general3A_46 = tpu.matmul %convert_element_type3A_39, %get3A_44, %dot_general3A_45 {dimension_numbers = #tpu.dot_dimension_numbers<[1], [0], [0], [1], [0, 0, 1, 1], [], []>, transpose_lhs_hint = false} : vector<4864x320xbf16>, vector<320x64xbf16>, vector<4864x64xf32> -> vector<4864x64xf32>
    %add3A_47 = arith.addf %add3A_31, %dot_general3A_46 : vector<4864x64xf32>
    %slice3A_48 = vector.extract_strided_slice %max3A_18 {offsets = [2, 0, 0], sizes = [8, 608, 64], strides = [1, 1, 1]} : vector<16x612x64xf32> to vector<8x608x64xf32>
    %slice3A_49 = vector.extract_strided_slice %max3A_18 {offsets = [2, 1, 0], sizes = [8, 608, 64], strides = [1, 1, 1]} : vector<16x612x64xf32> to vector<8x608x64xf32>
    %slice3A_50 = vector.extract_strided_slice %max3A_18 {offsets = [2, 2, 0], sizes = [8, 608, 64], strides = [1, 1, 1]} : vector<16x612x64xf32> to vector<8x608x64xf32>
    %slice3A_51 = vector.extract_strided_slice %max3A_18 {offsets = [2, 3, 0], sizes = [8, 608, 64], strides = [1, 1, 1]} : vector<16x612x64xf32> to vector<8x608x64xf32>
    %slice3A_52 = vector.extract_strided_slice %max3A_18 {offsets = [2, 4, 0], sizes = [8, 608, 64], strides = [1, 1, 1]} : vector<16x612x64xf32> to vector<8x608x64xf32>
    %concatenate3A_53 = tpu.concatenate %slice3A_48, %slice3A_49, %slice3A_50, %slice3A_51, %slice3A_52 in 2 : vector<8x608x64xf32>, vector<8x608x64xf32>, vector<8x608x64xf32>, vector<8x608x64xf32>, vector<8x608x64xf32> -> vector<8x608x320xf32>
    %reshape3A_54 = vector.shape_cast %concatenate3A_53 : vector<8x608x320xf32> to vector<4864x320xf32>
    %convert_element_type3A_55 = arith.truncf %reshape3A_54 : vector<4864x320xf32> to vector<4864x320xbf16>
    %get3A_56 = arith.constant 2 : index
    %get3A_57 = arith.constant 0 : index
    %get3A_58 = arith.constant 0 : index
    %get3A_59 = vector.load %arg3[%get3A_56, %get3A_57, %get3A_58] : memref<5x320x64xbf16, #tpu.memory_space<vmem>>, vector<1x320x64xbf16>
    %get3A_60 = vector.shape_cast %get3A_59 : vector<1x320x64xbf16> to vector<320x64xbf16>
    %dot_general3A_61 = arith.constant dense<0.000000e+00> : vector<4864x64xf32>
    %dot_general3A_62 = tpu.matmul %convert_element_type3A_55, %get3A_60, %dot_general3A_61 {dimension_numbers = #tpu.dot_dimension_numbers<[1], [0], [0], [1], [0, 0, 1, 1], [], []>, transpose_lhs_hint = false} : vector<4864x320xbf16>, vector<320x64xbf16>, vector<4864x64xf32> -> vector<4864x64xf32>
    %add3A_63 = arith.addf %add3A_47, %dot_general3A_62 : vector<4864x64xf32>
    %slice3A_64 = vector.extract_strided_slice %max3A_18 {offsets = [3, 0, 0], sizes = [8, 608, 64], strides = [1, 1, 1]} : vector<16x612x64xf32> to vector<8x608x64xf32>
    %slice3A_65 = vector.extract_strided_slice %max3A_18 {offsets = [3, 1, 0], sizes = [8, 608, 64], strides = [1, 1, 1]} : vector<16x612x64xf32> to vector<8x608x64xf32>
    %slice3A_66 = vector.extract_strided_slice %max3A_18 {offsets = [3, 2, 0], sizes = [8, 608, 64], strides = [1, 1, 1]} : vector<16x612x64xf32> to vector<8x608x64xf32>
    %slice3A_67 = vector.extract_strided_slice %max3A_18 {offsets = [3, 3, 0], sizes = [8, 608, 64], strides = [1, 1, 1]} : vector<16x612x64xf32> to vector<8x608x64xf32>
    %slice3A_68 = vector.extract_strided_slice %max3A_18 {offsets = [3, 4, 0], sizes = [8, 608, 64], strides = [1, 1, 1]} : vector<16x612x64xf32> to vector<8x608x64xf32>
    %concatenate3A_69 = tpu.concatenate %slice3A_64, %slice3A_65, %slice3A_66, %slice3A_67, %slice3A_68 in 2 : vector<8x608x64xf32>, vector<8x608x64xf32>, vector<8x608x64xf32>, vector<8x608x64xf32>, vector<8x608x64xf32> -> vector<8x608x320xf32>
    %reshape3A_70 = vector.shape_cast %concatenate3A_69 : vector<8x608x320xf32> to vector<4864x320xf32>
    %convert_element_type3A_71 = arith.truncf %reshape3A_70 : vector<4864x320xf32> to vector<4864x320xbf16>
    %get3A_72 = arith.constant 3 : index
    %get3A_73 = arith.constant 0 : index
    %get3A_74 = arith.constant 0 : index
    %get3A_75 = vector.load %arg3[%get3A_72, %get3A_73, %get3A_74] : memref<5x320x64xbf16, #tpu.memory_space<vmem>>, vector<1x320x64xbf16>
    %get3A_76 = vector.shape_cast %get3A_75 : vector<1x320x64xbf16> to vector<320x64xbf16>
    %dot_general3A_77 = arith.constant dense<0.000000e+00> : vector<4864x64xf32>
    %dot_general3A_78 = tpu.matmul %convert_element_type3A_71, %get3A_76, %dot_general3A_77 {dimension_numbers = #tpu.dot_dimension_numbers<[1], [0], [0], [1], [0, 0, 1, 1], [], []>, transpose_lhs_hint = false} : vector<4864x320xbf16>, vector<320x64xbf16>, vector<4864x64xf32> -> vector<4864x64xf32>
    %add3A_79 = arith.addf %add3A_63, %dot_general3A_78 : vector<4864x64xf32>
    %slice3A_80 = vector.extract_strided_slice %max3A_18 {offsets = [4, 0, 0], sizes = [8, 608, 64], strides = [1, 1, 1]} : vector<16x612x64xf32> to vector<8x608x64xf32>
    %slice3A_81 = vector.extract_strided_slice %max3A_18 {offsets = [4, 1, 0], sizes = [8, 608, 64], strides = [1, 1, 1]} : vector<16x612x64xf32> to vector<8x608x64xf32>
    %slice3A_82 = vector.extract_strided_slice %max3A_18 {offsets = [4, 2, 0], sizes = [8, 608, 64], strides = [1, 1, 1]} : vector<16x612x64xf32> to vector<8x608x64xf32>
    %slice3A_83 = vector.extract_strided_slice %max3A_18 {offsets = [4, 3, 0], sizes = [8, 608, 64], strides = [1, 1, 1]} : vector<16x612x64xf32> to vector<8x608x64xf32>
    %slice3A_84 = vector.extract_strided_slice %max3A_18 {offsets = [4, 4, 0], sizes = [8, 608, 64], strides = [1, 1, 1]} : vector<16x612x64xf32> to vector<8x608x64xf32>
    %concatenate3A_85 = tpu.concatenate %slice3A_80, %slice3A_81, %slice3A_82, %slice3A_83, %slice3A_84 in 2 : vector<8x608x64xf32>, vector<8x608x64xf32>, vector<8x608x64xf32>, vector<8x608x64xf32>, vector<8x608x64xf32> -> vector<8x608x320xf32>
    %reshape3A_86 = vector.shape_cast %concatenate3A_85 : vector<8x608x320xf32> to vector<4864x320xf32>
    %convert_element_type3A_87 = arith.truncf %reshape3A_86 : vector<4864x320xf32> to vector<4864x320xbf16>
    %get3A_88 = arith.constant 4 : index
    %get3A_89 = arith.constant 0 : index
    %get3A_90 = arith.constant 0 : index
    %get3A_91 = vector.load %arg3[%get3A_88, %get3A_89, %get3A_90] : memref<5x320x64xbf16, #tpu.memory_space<vmem>>, vector<1x320x64xbf16>
    %get3A_92 = vector.shape_cast %get3A_91 : vector<1x320x64xbf16> to vector<320x64xbf16>
    %dot_general3A_93 = arith.constant dense<0.000000e+00> : vector<4864x64xf32>
    %dot_general3A_94 = tpu.matmul %convert_element_type3A_87, %get3A_92, %dot_general3A_93 {dimension_numbers = #tpu.dot_dimension_numbers<[1], [0], [0], [1], [0, 0, 1, 1], [], []>, transpose_lhs_hint = false} : vector<4864x320xbf16>, vector<320x64xbf16>, vector<4864x64xf32> -> vector<4864x64xf32>
    %add3A_95 = arith.addf %add3A_79, %dot_general3A_94 : vector<4864x64xf32>
    %get3A_96 = arith.constant 0 : index
    %get3A_97 = arith.constant 0 : index
    %get3A_98 = vector.load %arg6[%get3A_96, %get3A_97] : memref<4864x8xf32, #tpu.memory_space<vmem>>, vector<4864x8xf32>
    %reduce_max3A = arith.constant dense<0xFF800000> : vector<4864xf32>
    %reduce_max3A_99 = vector.multi_reduction <maximumf>, %get3A_98, %reduce_max3A [1] : vector<4864x8xf32> to vector<4864xf32>
    %broadcast_in_dim3A_100 = vector.shape_cast %reduce_max3A_99 : vector<4864xf32> to vector<4864x1xf32>
    %eq3A = arith.constant 0 : i32
    %eq3A_101 = arith.cmpi eq, %arg0, %eq3A : i32
    %convert_element_type3A_102 = arith.extui %eq3A_101 : i1 to i32
    %cond3A = arith.constant 0 : i32
    %cond3A_103 = arith.cmpi ne, %convert_element_type3A_102, %cond3A : i32
    scf.if %cond3A_103 {
      %broadcast_in_dim3A_137 = arith.constant 0.000000e+00 : f32
      %broadcast_in_dim3A_138 = vector.broadcast %broadcast_in_dim3A_137 : f32 to vector<8x64xf32>
      %swap3A_139 = arith.constant 0 : index
      %swap3A_140 = arith.constant 0 : index
      %swap3A_141 = vector.load %arg8[%swap3A_139, %swap3A_140] : memref<8x64xf32, #tpu.memory_space<vmem>>, vector<8x64xf32>
      tpu.vector_store %arg8[%swap3A_139, %swap3A_140], %broadcast_in_dim3A_138 {strides = array<i32>} : memref<8x64xf32, #tpu.memory_space<vmem>>, vector<8x64xf32>,
    } else {
    }
    %mul3A_104 = vector.broadcast %broadcast_in_dim3A_100 : vector<4864x1xf32> to vector<4864x64xf32>
    %mul3A_105 = arith.mulf %add3A_95, %mul3A_104 : vector<4864x64xf32>
    %get3A_106 = arith.constant 0 : index
    %get3A_107 = arith.constant 0 : index
    %get3A_108 = vector.load %arg8[%get3A_106, %get3A_107] : memref<8x64xf32, #tpu.memory_space<vmem>>, vector<1x64xf32>
    %reduce_sum3A = arith.constant dense<0.000000e+00> : vector<64xf32>
    %reduce_sum3A_109 = vector.multi_reduction <add>, %mul3A_105, %reduce_sum3A [0] : vector<4864x64xf32> to vector<64xf32>
    %broadcast_in_dim3A_110 = vector.shape_cast %reduce_sum3A_109 : vector<64xf32> to vector<1x64xf32>
    %add3A_111 = arith.addf %get3A_108, %broadcast_in_dim3A_110 : vector<1x64xf32>
    %swap3A = arith.constant 0 : index
    %swap3A_112 = arith.constant 0 : index
    %swap3A_113 = vector.load %arg8[%swap3A, %swap3A_112] : memref<8x64xf32, #tpu.memory_space<vmem>>, vector<1x64xf32>
    tpu.vector_store %arg8[%swap3A, %swap3A_112], %add3A_111 {strides = array<i32>} : memref<8x64xf32, #tpu.memory_space<vmem>>, vector<1x64xf32>,
    %get3A_114 = arith.constant 1 : index
    %get3A_115 = arith.constant 0 : index
    %get3A_116 = vector.load %arg8[%get3A_114, %get3A_115] : memref<8x64xf32, #tpu.memory_space<vmem>>, vector<1x64xf32>
    %mul3A_117 = arith.mulf %mul3A_105, %add3A_95 : vector<4864x64xf32>
    %reduce_sum3A_118 = arith.constant dense<0.000000e+00> : vector<64xf32>
    %reduce_sum3A_119 = vector.multi_reduction <add>, %mul3A_117, %reduce_sum3A_118 [0] : vector<4864x64xf32> to vector<64xf32>
    %broadcast_in_dim3A_120 = vector.shape_cast %reduce_sum3A_119 : vector<64xf32> to vector<1x64xf32>
    %add3A_121 = arith.addf %get3A_116, %broadcast_in_dim3A_120 : vector<1x64xf32>
    %swap3A_122 = arith.constant 1 : index
    %swap3A_123 = arith.constant 0 : index
    %swap3A_124 = vector.load %arg8[%swap3A_122, %swap3A_123] : memref<8x64xf32, #tpu.memory_space<vmem>>, vector<1x64xf32>
    tpu.vector_store %arg8[%swap3A_122, %swap3A_123], %add3A_121 {strides = array<i32>} : memref<8x64xf32, #tpu.memory_space<vmem>>, vector<1x64xf32>,
    %mul3A_125 = vector.broadcast %broadcast_in_dim3A_100 : vector<4864x1xf32> to vector<4864x64xf32>
    %mul3A_126 = arith.mulf %add3A_95, %mul3A_125 : vector<4864x64xf32>
    %sub3A = arith.constant 1.000000e+00 : f32
    %sub3A_127 = vector.broadcast %sub3A : f32 to vector<4864x1xf32>
    %sub3A_128 = arith.subf %broadcast_in_dim3A_100, %sub3A_127 : vector<4864x1xf32>
    %mul3A_129 = arith.constant 1.000000e+30 : f32
    %mul3A_130 = vector.broadcast %mul3A_129 : f32 to vector<4864x1xf32>
    %mul3A_131 = arith.mulf %sub3A_128, %mul3A_130 : vector<4864x1xf32>
    %add3A_132 = vector.broadcast %mul3A_131 : vector<4864x1xf32> to vector<4864x64xf32>
    %add3A_133 = arith.addf %mul3A_126, %add3A_132 : vector<4864x64xf32>
    %swap3A_134 = arith.constant 0 : index
    %swap3A_135 = arith.constant 0 : index
    %swap3A_136 = vector.load %arg7[%swap3A_134, %swap3A_135] : memref<4864x64xf32, #tpu.memory_space<vmem>>, vector<4864x64xf32>
    tpu.vector_store %arg7[%swap3A_134, %swap3A_135], %add3A_133 {strides = array<i32>} : memref<4864x64xf32, #tpu.memory_space<vmem>>, vector<4864x64xf32>,
    return
  }
  func.func @transform_0(%arg0: i32) -> (i32, i32, i32) {
    %c0_i32 = arith.constant 0 : i32
    %c0_i32_0 = arith.constant 0 : i32
    %c0_i32_1 = arith.constant 0 : i32
    return %arg0, %c0_i32, %c0_i32_0 : i32, i32, i32
  }
  func.func @transform_1(%arg0: i32) -> (i32, i32, i32) {
    %add3A = arith.constant 1 : i32
    %add3A_0 = arith.addi %arg0, %add3A : i32
    %c0_i32 = arith.constant 0 : i32
    %c0_i32_1 = arith.constant 0 : i32
    %c0_i32_2 = arith.constant 0 : i32
    return %add3A_0, %c0_i32, %c0_i32_1 : i32, i32, i32
  }
  func.func @transform_2(%arg0: i32) -> (i32, i32, i32) {
    %c0_i32 = arith.constant 0 : i32
    %c0_i32_0 = arith.constant 0 : i32
    %c0_i32_1 = arith.constant 0 : i32
    %c0_i32_2 = arith.constant 0 : i32
    return %c0_i32, %c0_i32_0, %c0_i32_1 : i32, i32, i32
  }
  func.func @transform_3(%arg0: i32) -> (i32, i32, i32) {
    %c0_i32 = arith.constant 0 : i32
    %c0_i32_0 = arith.constant 0 : i32
    %c0_i32_1 = arith.constant 0 : i32
    %c0_i32_2 = arith.constant 0 : i32
    return %c0_i32, %c0_i32_0, %c0_i32_1 : i32, i32, i32
  }
  func.func @transform_4(%arg0: i32) -> (i32, i32, i32) {
    %c0_i32 = arith.constant 0 : i32
    %c0_i32_0 = arith.constant 0 : i32
    %c0_i32_1 = arith.constant 0 : i32
    %c0_i32_2 = arith.constant 0 : i32
    return %c0_i32, %c0_i32_0, %c0_i32_1 : i32, i32, i32
  }
  func.func @transform_5(%arg0: i32) -> (i32, i32) {
    %c0_i32 = arith.constant 0 : i32
    %c0_i32_0 = arith.constant 0 : i32
    return %arg0, %c0_i32 : i32, i32
  }
  func.func @transform_6(%arg0: i32) -> (i32, i32) {
    %c0_i32 = arith.constant 0 : i32
    %c0_i32_0 = arith.constant 0 : i32
    return %arg0, %c0_i32 : i32, i32
  }
  func.func @transform_7(%arg0: i32) -> (i32, i32) {
    %c0_i32 = arith.constant 0 : i32
    %c0_i32_0 = arith.constant 0 : i32
    %c0_i32_1 = arith.constant 0 : i32
    return %c0_i32, %c0_i32_0 : i32, i32
  }
}

module attributes {stable_mosaic.version = 14 : i64} {
  func.func @body(%arg0: i32, %arg1: memref<8x612x64xf32, #tpu.memory_space<vmem>>, %arg2: memref<8x612x64xf32, #tpu.memory_space<vmem>>, %arg3: memref<5x320x32xbf16, #tpu.memory_space<vmem>>, %arg4: memref<1x1x64xf32, #tpu.memory_space<vmem>>, %arg5: memref<1x1x64xf32, #tpu.memory_space<vmem>>, %arg6: memref<4864x32xf32, #tpu.memory_space<vmem>>, %arg7: memref<4864x32xf32, #tpu.memory_space<vmem>>) attributes {dimension_semantics = [#tpu.dimension_semantics<arbitrary>], iteration_bounds = array<i64: 22>, scalar_prefetch = 0 : i64, scratch_operands = 0 : i64, tpu.core_type = #tpu.core_type<tc>, window_params = [{transform_indices = @transform_0, window_bounds = array<i64: 8, 612, 64>}, {transform_indices = @transform_1, window_bounds = array<i64: 8, 612, 64>}, {pipeline_mode = #tpu.pipeline_mode<synchronous>, transform_indices = @transform_2, window_bounds = array<i64: 5, 320, 32>}, {pipeline_mode = #tpu.pipeline_mode<synchronous>, transform_indices = @transform_3, window_bounds = array<i64: 1, 1, 64>}, {pipeline_mode = #tpu.pipeline_mode<synchronous>, transform_indices = @transform_4, window_bounds = array<i64: 1, 1, 64>}, {transform_indices = @transform_5, window_bounds = array<i64: 4864, 32>}, {transform_indices = @transform_6, window_bounds = array<i64: 4864, 32>}]} {
    %get3A = arith.constant 0 : index
    %get3A_0 = arith.constant 0 : index
    %get3A_1 = arith.constant 0 : index
    %get3A_2 = vector.load %arg1[%get3A, %get3A_0, %get3A_1] : memref<8x612x64xf32, #tpu.memory_space<vmem>>, vector<8x612x64xf32>
    %get3A_3 = arith.constant 0 : index
    %get3A_4 = arith.constant 0 : index
    %get3A_5 = arith.constant 0 : index
    %get3A_6 = vector.load %arg2[%get3A_3, %get3A_4, %get3A_5] : memref<8x612x64xf32, #tpu.memory_space<vmem>>, vector<8x612x64xf32>
    %concatenate3A = tpu.concatenate %get3A_2, %get3A_6 in 0 : vector<8x612x64xf32>, vector<8x612x64xf32> -> vector<16x612x64xf32>
    %get3A_7 = arith.constant 0 : index
    %get3A_8 = arith.constant 0 : index
    %get3A_9 = arith.constant 0 : index
    %get3A_10 = vector.load %arg4[%get3A_7, %get3A_8, %get3A_9] : memref<1x1x64xf32, #tpu.memory_space<vmem>>, vector<1x1x64xf32>
    %mul3A = vector.broadcast %get3A_10 : vector<1x1x64xf32> to vector<16x612x64xf32>
    %mul3A_11 = arith.mulf %concatenate3A, %mul3A : vector<16x612x64xf32>
    %get3A_12 = arith.constant 0 : index
    %get3A_13 = arith.constant 0 : index
    %get3A_14 = arith.constant 0 : index
    %get3A_15 = vector.load %arg5[%get3A_12, %get3A_13, %get3A_14] : memref<1x1x64xf32, #tpu.memory_space<vmem>>, vector<1x1x64xf32>
    %add3A = vector.broadcast %get3A_15 : vector<1x1x64xf32> to vector<16x612x64xf32>
    %add3A_16 = arith.addf %mul3A_11, %add3A : vector<16x612x64xf32>
    %max3A = arith.constant 0.000000e+00 : f32
    %max3A_17 = vector.broadcast %max3A : f32 to vector<16x612x64xf32>
    %max3A_18 = arith.maximumf %add3A_16, %max3A_17 : vector<16x612x64xf32>
    %broadcast_in_dim3A = arith.constant 0.000000e+00 : f32
    %broadcast_in_dim3A_19 = vector.broadcast %broadcast_in_dim3A : f32 to vector<4864x32xf32>
    %slice3A = vector.extract_strided_slice %max3A_18 {offsets = [0, 0, 0], sizes = [8, 608, 64], strides = [1, 1, 1]} : vector<16x612x64xf32> to vector<8x608x64xf32>
    %slice3A_20 = vector.extract_strided_slice %max3A_18 {offsets = [0, 1, 0], sizes = [8, 608, 64], strides = [1, 1, 1]} : vector<16x612x64xf32> to vector<8x608x64xf32>
    %slice3A_21 = vector.extract_strided_slice %max3A_18 {offsets = [0, 2, 0], sizes = [8, 608, 64], strides = [1, 1, 1]} : vector<16x612x64xf32> to vector<8x608x64xf32>
    %slice3A_22 = vector.extract_strided_slice %max3A_18 {offsets = [0, 3, 0], sizes = [8, 608, 64], strides = [1, 1, 1]} : vector<16x612x64xf32> to vector<8x608x64xf32>
    %slice3A_23 = vector.extract_strided_slice %max3A_18 {offsets = [0, 4, 0], sizes = [8, 608, 64], strides = [1, 1, 1]} : vector<16x612x64xf32> to vector<8x608x64xf32>
    %concatenate3A_24 = tpu.concatenate %slice3A, %slice3A_20, %slice3A_21, %slice3A_22, %slice3A_23 in 2 : vector<8x608x64xf32>, vector<8x608x64xf32>, vector<8x608x64xf32>, vector<8x608x64xf32>, vector<8x608x64xf32> -> vector<8x608x320xf32>
    %reshape3A = vector.shape_cast %concatenate3A_24 : vector<8x608x320xf32> to vector<4864x320xf32>
    %convert_element_type3A = arith.truncf %reshape3A : vector<4864x320xf32> to vector<4864x320xbf16>
    %get3A_25 = arith.constant 0 : index
    %get3A_26 = arith.constant 0 : index
    %get3A_27 = arith.constant 0 : index
    %get3A_28 = vector.load %arg3[%get3A_25, %get3A_26, %get3A_27] : memref<5x320x32xbf16, #tpu.memory_space<vmem>>, vector<1x320x32xbf16>
    %get3A_29 = vector.shape_cast %get3A_28 : vector<1x320x32xbf16> to vector<320x32xbf16>
    %dot_general3A = arith.constant dense<0.000000e+00> : vector<4864x32xf32>
    %dot_general3A_30 = tpu.matmul %convert_element_type3A, %get3A_29, %dot_general3A {dimension_numbers = #tpu.dot_dimension_numbers<[1], [0], [0], [1], [0, 0, 1, 1], [], []>, transpose_lhs_hint = false} : vector<4864x320xbf16>, vector<320x32xbf16>, vector<4864x32xf32> -> vector<4864x32xf32>
    %add3A_31 = arith.addf %broadcast_in_dim3A_19, %dot_general3A_30 : vector<4864x32xf32>
    %slice3A_32 = vector.extract_strided_slice %max3A_18 {offsets = [1, 0, 0], sizes = [8, 608, 64], strides = [1, 1, 1]} : vector<16x612x64xf32> to vector<8x608x64xf32>
    %slice3A_33 = vector.extract_strided_slice %max3A_18 {offsets = [1, 1, 0], sizes = [8, 608, 64], strides = [1, 1, 1]} : vector<16x612x64xf32> to vector<8x608x64xf32>
    %slice3A_34 = vector.extract_strided_slice %max3A_18 {offsets = [1, 2, 0], sizes = [8, 608, 64], strides = [1, 1, 1]} : vector<16x612x64xf32> to vector<8x608x64xf32>
    %slice3A_35 = vector.extract_strided_slice %max3A_18 {offsets = [1, 3, 0], sizes = [8, 608, 64], strides = [1, 1, 1]} : vector<16x612x64xf32> to vector<8x608x64xf32>
    %slice3A_36 = vector.extract_strided_slice %max3A_18 {offsets = [1, 4, 0], sizes = [8, 608, 64], strides = [1, 1, 1]} : vector<16x612x64xf32> to vector<8x608x64xf32>
    %concatenate3A_37 = tpu.concatenate %slice3A_32, %slice3A_33, %slice3A_34, %slice3A_35, %slice3A_36 in 2 : vector<8x608x64xf32>, vector<8x608x64xf32>, vector<8x608x64xf32>, vector<8x608x64xf32>, vector<8x608x64xf32> -> vector<8x608x320xf32>
    %reshape3A_38 = vector.shape_cast %concatenate3A_37 : vector<8x608x320xf32> to vector<4864x320xf32>
    %convert_element_type3A_39 = arith.truncf %reshape3A_38 : vector<4864x320xf32> to vector<4864x320xbf16>
    %get3A_40 = arith.constant 1 : index
    %get3A_41 = arith.constant 0 : index
    %get3A_42 = arith.constant 0 : index
    %get3A_43 = vector.load %arg3[%get3A_40, %get3A_41, %get3A_42] : memref<5x320x32xbf16, #tpu.memory_space<vmem>>, vector<1x320x32xbf16>
    %get3A_44 = vector.shape_cast %get3A_43 : vector<1x320x32xbf16> to vector<320x32xbf16>
    %dot_general3A_45 = arith.constant dense<0.000000e+00> : vector<4864x32xf32>
    %dot_general3A_46 = tpu.matmul %convert_element_type3A_39, %get3A_44, %dot_general3A_45 {dimension_numbers = #tpu.dot_dimension_numbers<[1], [0], [0], [1], [0, 0, 1, 1], [], []>, transpose_lhs_hint = false} : vector<4864x320xbf16>, vector<320x32xbf16>, vector<4864x32xf32> -> vector<4864x32xf32>
    %add3A_47 = arith.addf %add3A_31, %dot_general3A_46 : vector<4864x32xf32>
    %slice3A_48 = vector.extract_strided_slice %max3A_18 {offsets = [2, 0, 0], sizes = [8, 608, 64], strides = [1, 1, 1]} : vector<16x612x64xf32> to vector<8x608x64xf32>
    %slice3A_49 = vector.extract_strided_slice %max3A_18 {offsets = [2, 1, 0], sizes = [8, 608, 64], strides = [1, 1, 1]} : vector<16x612x64xf32> to vector<8x608x64xf32>
    %slice3A_50 = vector.extract_strided_slice %max3A_18 {offsets = [2, 2, 0], sizes = [8, 608, 64], strides = [1, 1, 1]} : vector<16x612x64xf32> to vector<8x608x64xf32>
    %slice3A_51 = vector.extract_strided_slice %max3A_18 {offsets = [2, 3, 0], sizes = [8, 608, 64], strides = [1, 1, 1]} : vector<16x612x64xf32> to vector<8x608x64xf32>
    %slice3A_52 = vector.extract_strided_slice %max3A_18 {offsets = [2, 4, 0], sizes = [8, 608, 64], strides = [1, 1, 1]} : vector<16x612x64xf32> to vector<8x608x64xf32>
    %concatenate3A_53 = tpu.concatenate %slice3A_48, %slice3A_49, %slice3A_50, %slice3A_51, %slice3A_52 in 2 : vector<8x608x64xf32>, vector<8x608x64xf32>, vector<8x608x64xf32>, vector<8x608x64xf32>, vector<8x608x64xf32> -> vector<8x608x320xf32>
    %reshape3A_54 = vector.shape_cast %concatenate3A_53 : vector<8x608x320xf32> to vector<4864x320xf32>
    %convert_element_type3A_55 = arith.truncf %reshape3A_54 : vector<4864x320xf32> to vector<4864x320xbf16>
    %get3A_56 = arith.constant 2 : index
    %get3A_57 = arith.constant 0 : index
    %get3A_58 = arith.constant 0 : index
    %get3A_59 = vector.load %arg3[%get3A_56, %get3A_57, %get3A_58] : memref<5x320x32xbf16, #tpu.memory_space<vmem>>, vector<1x320x32xbf16>
    %get3A_60 = vector.shape_cast %get3A_59 : vector<1x320x32xbf16> to vector<320x32xbf16>
    %dot_general3A_61 = arith.constant dense<0.000000e+00> : vector<4864x32xf32>
    %dot_general3A_62 = tpu.matmul %convert_element_type3A_55, %get3A_60, %dot_general3A_61 {dimension_numbers = #tpu.dot_dimension_numbers<[1], [0], [0], [1], [0, 0, 1, 1], [], []>, transpose_lhs_hint = false} : vector<4864x320xbf16>, vector<320x32xbf16>, vector<4864x32xf32> -> vector<4864x32xf32>
    %add3A_63 = arith.addf %add3A_47, %dot_general3A_62 : vector<4864x32xf32>
    %slice3A_64 = vector.extract_strided_slice %max3A_18 {offsets = [3, 0, 0], sizes = [8, 608, 64], strides = [1, 1, 1]} : vector<16x612x64xf32> to vector<8x608x64xf32>
    %slice3A_65 = vector.extract_strided_slice %max3A_18 {offsets = [3, 1, 0], sizes = [8, 608, 64], strides = [1, 1, 1]} : vector<16x612x64xf32> to vector<8x608x64xf32>
    %slice3A_66 = vector.extract_strided_slice %max3A_18 {offsets = [3, 2, 0], sizes = [8, 608, 64], strides = [1, 1, 1]} : vector<16x612x64xf32> to vector<8x608x64xf32>
    %slice3A_67 = vector.extract_strided_slice %max3A_18 {offsets = [3, 3, 0], sizes = [8, 608, 64], strides = [1, 1, 1]} : vector<16x612x64xf32> to vector<8x608x64xf32>
    %slice3A_68 = vector.extract_strided_slice %max3A_18 {offsets = [3, 4, 0], sizes = [8, 608, 64], strides = [1, 1, 1]} : vector<16x612x64xf32> to vector<8x608x64xf32>
    %concatenate3A_69 = tpu.concatenate %slice3A_64, %slice3A_65, %slice3A_66, %slice3A_67, %slice3A_68 in 2 : vector<8x608x64xf32>, vector<8x608x64xf32>, vector<8x608x64xf32>, vector<8x608x64xf32>, vector<8x608x64xf32> -> vector<8x608x320xf32>
    %reshape3A_70 = vector.shape_cast %concatenate3A_69 : vector<8x608x320xf32> to vector<4864x320xf32>
    %convert_element_type3A_71 = arith.truncf %reshape3A_70 : vector<4864x320xf32> to vector<4864x320xbf16>
    %get3A_72 = arith.constant 3 : index
    %get3A_73 = arith.constant 0 : index
    %get3A_74 = arith.constant 0 : index
    %get3A_75 = vector.load %arg3[%get3A_72, %get3A_73, %get3A_74] : memref<5x320x32xbf16, #tpu.memory_space<vmem>>, vector<1x320x32xbf16>
    %get3A_76 = vector.shape_cast %get3A_75 : vector<1x320x32xbf16> to vector<320x32xbf16>
    %dot_general3A_77 = arith.constant dense<0.000000e+00> : vector<4864x32xf32>
    %dot_general3A_78 = tpu.matmul %convert_element_type3A_71, %get3A_76, %dot_general3A_77 {dimension_numbers = #tpu.dot_dimension_numbers<[1], [0], [0], [1], [0, 0, 1, 1], [], []>, transpose_lhs_hint = false} : vector<4864x320xbf16>, vector<320x32xbf16>, vector<4864x32xf32> -> vector<4864x32xf32>
    %add3A_79 = arith.addf %add3A_63, %dot_general3A_78 : vector<4864x32xf32>
    %slice3A_80 = vector.extract_strided_slice %max3A_18 {offsets = [4, 0, 0], sizes = [8, 608, 64], strides = [1, 1, 1]} : vector<16x612x64xf32> to vector<8x608x64xf32>
    %slice3A_81 = vector.extract_strided_slice %max3A_18 {offsets = [4, 1, 0], sizes = [8, 608, 64], strides = [1, 1, 1]} : vector<16x612x64xf32> to vector<8x608x64xf32>
    %slice3A_82 = vector.extract_strided_slice %max3A_18 {offsets = [4, 2, 0], sizes = [8, 608, 64], strides = [1, 1, 1]} : vector<16x612x64xf32> to vector<8x608x64xf32>
    %slice3A_83 = vector.extract_strided_slice %max3A_18 {offsets = [4, 3, 0], sizes = [8, 608, 64], strides = [1, 1, 1]} : vector<16x612x64xf32> to vector<8x608x64xf32>
    %slice3A_84 = vector.extract_strided_slice %max3A_18 {offsets = [4, 4, 0], sizes = [8, 608, 64], strides = [1, 1, 1]} : vector<16x612x64xf32> to vector<8x608x64xf32>
    %concatenate3A_85 = tpu.concatenate %slice3A_80, %slice3A_81, %slice3A_82, %slice3A_83, %slice3A_84 in 2 : vector<8x608x64xf32>, vector<8x608x64xf32>, vector<8x608x64xf32>, vector<8x608x64xf32>, vector<8x608x64xf32> -> vector<8x608x320xf32>
    %reshape3A_86 = vector.shape_cast %concatenate3A_85 : vector<8x608x320xf32> to vector<4864x320xf32>
    %convert_element_type3A_87 = arith.truncf %reshape3A_86 : vector<4864x320xf32> to vector<4864x320xbf16>
    %get3A_88 = arith.constant 4 : index
    %get3A_89 = arith.constant 0 : index
    %get3A_90 = arith.constant 0 : index
    %get3A_91 = vector.load %arg3[%get3A_88, %get3A_89, %get3A_90] : memref<5x320x32xbf16, #tpu.memory_space<vmem>>, vector<1x320x32xbf16>
    %get3A_92 = vector.shape_cast %get3A_91 : vector<1x320x32xbf16> to vector<320x32xbf16>
    %dot_general3A_93 = arith.constant dense<0.000000e+00> : vector<4864x32xf32>
    %dot_general3A_94 = tpu.matmul %convert_element_type3A_87, %get3A_92, %dot_general3A_93 {dimension_numbers = #tpu.dot_dimension_numbers<[1], [0], [0], [1], [0, 0, 1, 1], [], []>, transpose_lhs_hint = false} : vector<4864x320xbf16>, vector<320x32xbf16>, vector<4864x32xf32> -> vector<4864x32xf32>
    %add3A_95 = arith.addf %add3A_79, %dot_general3A_94 : vector<4864x32xf32>
    %get3A_96 = arith.constant 0 : index
    %get3A_97 = arith.constant 0 : index
    %get3A_98 = vector.load %arg6[%get3A_96, %get3A_97] : memref<4864x32xf32, #tpu.memory_space<vmem>>, vector<4864x32xf32>
    %add3A_99 = arith.addf %add3A_95, %get3A_98 : vector<4864x32xf32>
    %swap3A = arith.constant 0 : index
    %swap3A_100 = arith.constant 0 : index
    %swap3A_101 = vector.load %arg7[%swap3A, %swap3A_100] : memref<4864x32xf32, #tpu.memory_space<vmem>>, vector<4864x32xf32>
    tpu.vector_store %arg7[%swap3A, %swap3A_100], %add3A_99 {strides = array<i32>} : memref<4864x32xf32, #tpu.memory_space<vmem>>, vector<4864x32xf32>,
    return
  }
  func.func @transform_0(%arg0: i32) -> (i32, i32, i32) {
    %c0_i32 = arith.constant 0 : i32
    %c0_i32_0 = arith.constant 0 : i32
    %c0_i32_1 = arith.constant 0 : i32
    return %arg0, %c0_i32, %c0_i32_0 : i32, i32, i32
  }
  func.func @transform_1(%arg0: i32) -> (i32, i32, i32) {
    %add3A = arith.constant 1 : i32
    %add3A_0 = arith.addi %arg0, %add3A : i32
    %c0_i32 = arith.constant 0 : i32
    %c0_i32_1 = arith.constant 0 : i32
    %c0_i32_2 = arith.constant 0 : i32
    return %add3A_0, %c0_i32, %c0_i32_1 : i32, i32, i32
  }
  func.func @transform_2(%arg0: i32) -> (i32, i32, i32) {
    %c0_i32 = arith.constant 0 : i32
    %c0_i32_0 = arith.constant 0 : i32
    %c0_i32_1 = arith.constant 0 : i32
    %c0_i32_2 = arith.constant 0 : i32
    return %c0_i32, %c0_i32_0, %c0_i32_1 : i32, i32, i32
  }
  func.func @transform_3(%arg0: i32) -> (i32, i32, i32) {
    %c0_i32 = arith.constant 0 : i32
    %c0_i32_0 = arith.constant 0 : i32
    %c0_i32_1 = arith.constant 0 : i32
    %c0_i32_2 = arith.constant 0 : i32
    return %c0_i32, %c0_i32_0, %c0_i32_1 : i32, i32, i32
  }
  func.func @transform_4(%arg0: i32) -> (i32, i32, i32) {
    %c0_i32 = arith.constant 0 : i32
    %c0_i32_0 = arith.constant 0 : i32
    %c0_i32_1 = arith.constant 0 : i32
    %c0_i32_2 = arith.constant 0 : i32
    return %c0_i32, %c0_i32_0, %c0_i32_1 : i32, i32, i32
  }
  func.func @transform_5(%arg0: i32) -> (i32, i32) {
    %c0_i32 = arith.constant 0 : i32
    %c0_i32_0 = arith.constant 0 : i32
    return %arg0, %c0_i32 : i32, i32
  }
  func.func @transform_6(%arg0: i32) -> (i32, i32) {
    %c0_i32 = arith.constant 0 : i32
    %c0_i32_0 = arith.constant 0 : i32
    return %arg0, %c0_i32 : i32, i32
  }
}

module attributes {stable_mosaic.version = 14 : i64} {
  func.func @body(%arg0: i32, %arg1: memref<8x612x64xf32, #tpu.memory_space<vmem>>, %arg2: memref<8x612x64xf32, #tpu.memory_space<vmem>>, %arg3: memref<5x320x32xbf16, #tpu.memory_space<vmem>>, %arg4: memref<1x1x64xf32, #tpu.memory_space<vmem>>, %arg5: memref<1x1x64xf32, #tpu.memory_space<vmem>>, %arg6: memref<4864x8xf32, #tpu.memory_space<vmem>>, %arg7: memref<4864x32xf32, #tpu.memory_space<vmem>>, %arg8: memref<4864x32xf32, #tpu.memory_space<vmem>>, %arg9: memref<8x32xf32, #tpu.memory_space<vmem>>) attributes {dimension_semantics = [#tpu.dimension_semantics<arbitrary>], iteration_bounds = array<i64: 22>, scalar_prefetch = 0 : i64, scratch_operands = 0 : i64, tpu.core_type = #tpu.core_type<tc>, window_params = [{transform_indices = @transform_0, window_bounds = array<i64: 8, 612, 64>}, {transform_indices = @transform_1, window_bounds = array<i64: 8, 612, 64>}, {pipeline_mode = #tpu.pipeline_mode<synchronous>, transform_indices = @transform_2, window_bounds = array<i64: 5, 320, 32>}, {pipeline_mode = #tpu.pipeline_mode<synchronous>, transform_indices = @transform_3, window_bounds = array<i64: 1, 1, 64>}, {pipeline_mode = #tpu.pipeline_mode<synchronous>, transform_indices = @transform_4, window_bounds = array<i64: 1, 1, 64>}, {transform_indices = @transform_5, window_bounds = array<i64: 4864, 8>}, {transform_indices = @transform_6, window_bounds = array<i64: 4864, 32>}, {transform_indices = @transform_7, window_bounds = array<i64: 4864, 32>}, {pipeline_mode = #tpu.pipeline_mode<synchronous>, transform_indices = @transform_8, window_bounds = array<i64: 8, 32>}]} {
    %get3A = arith.constant 0 : index
    %get3A_0 = arith.constant 0 : index
    %get3A_1 = arith.constant 0 : index
    %get3A_2 = vector.load %arg1[%get3A, %get3A_0, %get3A_1] : memref<8x612x64xf32, #tpu.memory_space<vmem>>, vector<8x612x64xf32>
    %get3A_3 = arith.constant 0 : index
    %get3A_4 = arith.constant 0 : index
    %get3A_5 = arith.constant 0 : index
    %get3A_6 = vector.load %arg2[%get3A_3, %get3A_4, %get3A_5] : memref<8x612x64xf32, #tpu.memory_space<vmem>>, vector<8x612x64xf32>
    %concatenate3A = tpu.concatenate %get3A_2, %get3A_6 in 0 : vector<8x612x64xf32>, vector<8x612x64xf32> -> vector<16x612x64xf32>
    %get3A_7 = arith.constant 0 : index
    %get3A_8 = arith.constant 0 : index
    %get3A_9 = arith.constant 0 : index
    %get3A_10 = vector.load %arg4[%get3A_7, %get3A_8, %get3A_9] : memref<1x1x64xf32, #tpu.memory_space<vmem>>, vector<1x1x64xf32>
    %mul3A = vector.broadcast %get3A_10 : vector<1x1x64xf32> to vector<16x612x64xf32>
    %mul3A_11 = arith.mulf %concatenate3A, %mul3A : vector<16x612x64xf32>
    %get3A_12 = arith.constant 0 : index
    %get3A_13 = arith.constant 0 : index
    %get3A_14 = arith.constant 0 : index
    %get3A_15 = vector.load %arg5[%get3A_12, %get3A_13, %get3A_14] : memref<1x1x64xf32, #tpu.memory_space<vmem>>, vector<1x1x64xf32>
    %add3A = vector.broadcast %get3A_15 : vector<1x1x64xf32> to vector<16x612x64xf32>
    %add3A_16 = arith.addf %mul3A_11, %add3A : vector<16x612x64xf32>
    %max3A = arith.constant 0.000000e+00 : f32
    %max3A_17 = vector.broadcast %max3A : f32 to vector<16x612x64xf32>
    %max3A_18 = arith.maximumf %add3A_16, %max3A_17 : vector<16x612x64xf32>
    %broadcast_in_dim3A = arith.constant 0.000000e+00 : f32
    %broadcast_in_dim3A_19 = vector.broadcast %broadcast_in_dim3A : f32 to vector<4864x32xf32>
    %slice3A = vector.extract_strided_slice %max3A_18 {offsets = [0, 0, 0], sizes = [8, 608, 64], strides = [1, 1, 1]} : vector<16x612x64xf32> to vector<8x608x64xf32>
    %slice3A_20 = vector.extract_strided_slice %max3A_18 {offsets = [0, 1, 0], sizes = [8, 608, 64], strides = [1, 1, 1]} : vector<16x612x64xf32> to vector<8x608x64xf32>
    %slice3A_21 = vector.extract_strided_slice %max3A_18 {offsets = [0, 2, 0], sizes = [8, 608, 64], strides = [1, 1, 1]} : vector<16x612x64xf32> to vector<8x608x64xf32>
    %slice3A_22 = vector.extract_strided_slice %max3A_18 {offsets = [0, 3, 0], sizes = [8, 608, 64], strides = [1, 1, 1]} : vector<16x612x64xf32> to vector<8x608x64xf32>
    %slice3A_23 = vector.extract_strided_slice %max3A_18 {offsets = [0, 4, 0], sizes = [8, 608, 64], strides = [1, 1, 1]} : vector<16x612x64xf32> to vector<8x608x64xf32>
    %concatenate3A_24 = tpu.concatenate %slice3A, %slice3A_20, %slice3A_21, %slice3A_22, %slice3A_23 in 2 : vector<8x608x64xf32>, vector<8x608x64xf32>, vector<8x608x64xf32>, vector<8x608x64xf32>, vector<8x608x64xf32> -> vector<8x608x320xf32>
    %reshape3A = vector.shape_cast %concatenate3A_24 : vector<8x608x320xf32> to vector<4864x320xf32>
    %convert_element_type3A = arith.truncf %reshape3A : vector<4864x320xf32> to vector<4864x320xbf16>
    %get3A_25 = arith.constant 0 : index
    %get3A_26 = arith.constant 0 : index
    %get3A_27 = arith.constant 0 : index
    %get3A_28 = vector.load %arg3[%get3A_25, %get3A_26, %get3A_27] : memref<5x320x32xbf16, #tpu.memory_space<vmem>>, vector<1x320x32xbf16>
    %get3A_29 = vector.shape_cast %get3A_28 : vector<1x320x32xbf16> to vector<320x32xbf16>
    %dot_general3A = arith.constant dense<0.000000e+00> : vector<4864x32xf32>
    %dot_general3A_30 = tpu.matmul %convert_element_type3A, %get3A_29, %dot_general3A {dimension_numbers = #tpu.dot_dimension_numbers<[1], [0], [0], [1], [0, 0, 1, 1], [], []>, transpose_lhs_hint = false} : vector<4864x320xbf16>, vector<320x32xbf16>, vector<4864x32xf32> -> vector<4864x32xf32>
    %add3A_31 = arith.addf %broadcast_in_dim3A_19, %dot_general3A_30 : vector<4864x32xf32>
    %slice3A_32 = vector.extract_strided_slice %max3A_18 {offsets = [1, 0, 0], sizes = [8, 608, 64], strides = [1, 1, 1]} : vector<16x612x64xf32> to vector<8x608x64xf32>
    %slice3A_33 = vector.extract_strided_slice %max3A_18 {offsets = [1, 1, 0], sizes = [8, 608, 64], strides = [1, 1, 1]} : vector<16x612x64xf32> to vector<8x608x64xf32>
    %slice3A_34 = vector.extract_strided_slice %max3A_18 {offsets = [1, 2, 0], sizes = [8, 608, 64], strides = [1, 1, 1]} : vector<16x612x64xf32> to vector<8x608x64xf32>
    %slice3A_35 = vector.extract_strided_slice %max3A_18 {offsets = [1, 3, 0], sizes = [8, 608, 64], strides = [1, 1, 1]} : vector<16x612x64xf32> to vector<8x608x64xf32>
    %slice3A_36 = vector.extract_strided_slice %max3A_18 {offsets = [1, 4, 0], sizes = [8, 608, 64], strides = [1, 1, 1]} : vector<16x612x64xf32> to vector<8x608x64xf32>
    %concatenate3A_37 = tpu.concatenate %slice3A_32, %slice3A_33, %slice3A_34, %slice3A_35, %slice3A_36 in 2 : vector<8x608x64xf32>, vector<8x608x64xf32>, vector<8x608x64xf32>, vector<8x608x64xf32>, vector<8x608x64xf32> -> vector<8x608x320xf32>
    %reshape3A_38 = vector.shape_cast %concatenate3A_37 : vector<8x608x320xf32> to vector<4864x320xf32>
    %convert_element_type3A_39 = arith.truncf %reshape3A_38 : vector<4864x320xf32> to vector<4864x320xbf16>
    %get3A_40 = arith.constant 1 : index
    %get3A_41 = arith.constant 0 : index
    %get3A_42 = arith.constant 0 : index
    %get3A_43 = vector.load %arg3[%get3A_40, %get3A_41, %get3A_42] : memref<5x320x32xbf16, #tpu.memory_space<vmem>>, vector<1x320x32xbf16>
    %get3A_44 = vector.shape_cast %get3A_43 : vector<1x320x32xbf16> to vector<320x32xbf16>
    %dot_general3A_45 = arith.constant dense<0.000000e+00> : vector<4864x32xf32>
    %dot_general3A_46 = tpu.matmul %convert_element_type3A_39, %get3A_44, %dot_general3A_45 {dimension_numbers = #tpu.dot_dimension_numbers<[1], [0], [0], [1], [0, 0, 1, 1], [], []>, transpose_lhs_hint = false} : vector<4864x320xbf16>, vector<320x32xbf16>, vector<4864x32xf32> -> vector<4864x32xf32>
    %add3A_47 = arith.addf %add3A_31, %dot_general3A_46 : vector<4864x32xf32>
    %slice3A_48 = vector.extract_strided_slice %max3A_18 {offsets = [2, 0, 0], sizes = [8, 608, 64], strides = [1, 1, 1]} : vector<16x612x64xf32> to vector<8x608x64xf32>
    %slice3A_49 = vector.extract_strided_slice %max3A_18 {offsets = [2, 1, 0], sizes = [8, 608, 64], strides = [1, 1, 1]} : vector<16x612x64xf32> to vector<8x608x64xf32>
    %slice3A_50 = vector.extract_strided_slice %max3A_18 {offsets = [2, 2, 0], sizes = [8, 608, 64], strides = [1, 1, 1]} : vector<16x612x64xf32> to vector<8x608x64xf32>
    %slice3A_51 = vector.extract_strided_slice %max3A_18 {offsets = [2, 3, 0], sizes = [8, 608, 64], strides = [1, 1, 1]} : vector<16x612x64xf32> to vector<8x608x64xf32>
    %slice3A_52 = vector.extract_strided_slice %max3A_18 {offsets = [2, 4, 0], sizes = [8, 608, 64], strides = [1, 1, 1]} : vector<16x612x64xf32> to vector<8x608x64xf32>
    %concatenate3A_53 = tpu.concatenate %slice3A_48, %slice3A_49, %slice3A_50, %slice3A_51, %slice3A_52 in 2 : vector<8x608x64xf32>, vector<8x608x64xf32>, vector<8x608x64xf32>, vector<8x608x64xf32>, vector<8x608x64xf32> -> vector<8x608x320xf32>
    %reshape3A_54 = vector.shape_cast %concatenate3A_53 : vector<8x608x320xf32> to vector<4864x320xf32>
    %convert_element_type3A_55 = arith.truncf %reshape3A_54 : vector<4864x320xf32> to vector<4864x320xbf16>
    %get3A_56 = arith.constant 2 : index
    %get3A_57 = arith.constant 0 : index
    %get3A_58 = arith.constant 0 : index
    %get3A_59 = vector.load %arg3[%get3A_56, %get3A_57, %get3A_58] : memref<5x320x32xbf16, #tpu.memory_space<vmem>>, vector<1x320x32xbf16>
    %get3A_60 = vector.shape_cast %get3A_59 : vector<1x320x32xbf16> to vector<320x32xbf16>
    %dot_general3A_61 = arith.constant dense<0.000000e+00> : vector<4864x32xf32>
    %dot_general3A_62 = tpu.matmul %convert_element_type3A_55, %get3A_60, %dot_general3A_61 {dimension_numbers = #tpu.dot_dimension_numbers<[1], [0], [0], [1], [0, 0, 1, 1], [], []>, transpose_lhs_hint = false} : vector<4864x320xbf16>, vector<320x32xbf16>, vector<4864x32xf32> -> vector<4864x32xf32>
    %add3A_63 = arith.addf %add3A_47, %dot_general3A_62 : vector<4864x32xf32>
    %slice3A_64 = vector.extract_strided_slice %max3A_18 {offsets = [3, 0, 0], sizes = [8, 608, 64], strides = [1, 1, 1]} : vector<16x612x64xf32> to vector<8x608x64xf32>
    %slice3A_65 = vector.extract_strided_slice %max3A_18 {offsets = [3, 1, 0], sizes = [8, 608, 64], strides = [1, 1, 1]} : vector<16x612x64xf32> to vector<8x608x64xf32>
    %slice3A_66 = vector.extract_strided_slice %max3A_18 {offsets = [3, 2, 0], sizes = [8, 608, 64], strides = [1, 1, 1]} : vector<16x612x64xf32> to vector<8x608x64xf32>
    %slice3A_67 = vector.extract_strided_slice %max3A_18 {offsets = [3, 3, 0], sizes = [8, 608, 64], strides = [1, 1, 1]} : vector<16x612x64xf32> to vector<8x608x64xf32>
    %slice3A_68 = vector.extract_strided_slice %max3A_18 {offsets = [3, 4, 0], sizes = [8, 608, 64], strides = [1, 1, 1]} : vector<16x612x64xf32> to vector<8x608x64xf32>
    %concatenate3A_69 = tpu.concatenate %slice3A_64, %slice3A_65, %slice3A_66, %slice3A_67, %slice3A_68 in 2 : vector<8x608x64xf32>, vector<8x608x64xf32>, vector<8x608x64xf32>, vector<8x608x64xf32>, vector<8x608x64xf32> -> vector<8x608x320xf32>
    %reshape3A_70 = vector.shape_cast %concatenate3A_69 : vector<8x608x320xf32> to vector<4864x320xf32>
    %convert_element_type3A_71 = arith.truncf %reshape3A_70 : vector<4864x320xf32> to vector<4864x320xbf16>
    %get3A_72 = arith.constant 3 : index
    %get3A_73 = arith.constant 0 : index
    %get3A_74 = arith.constant 0 : index
    %get3A_75 = vector.load %arg3[%get3A_72, %get3A_73, %get3A_74] : memref<5x320x32xbf16, #tpu.memory_space<vmem>>, vector<1x320x32xbf16>
    %get3A_76 = vector.shape_cast %get3A_75 : vector<1x320x32xbf16> to vector<320x32xbf16>
    %dot_general3A_77 = arith.constant dense<0.000000e+00> : vector<4864x32xf32>
    %dot_general3A_78 = tpu.matmul %convert_element_type3A_71, %get3A_76, %dot_general3A_77 {dimension_numbers = #tpu.dot_dimension_numbers<[1], [0], [0], [1], [0, 0, 1, 1], [], []>, transpose_lhs_hint = false} : vector<4864x320xbf16>, vector<320x32xbf16>, vector<4864x32xf32> -> vector<4864x32xf32>
    %add3A_79 = arith.addf %add3A_63, %dot_general3A_78 : vector<4864x32xf32>
    %slice3A_80 = vector.extract_strided_slice %max3A_18 {offsets = [4, 0, 0], sizes = [8, 608, 64], strides = [1, 1, 1]} : vector<16x612x64xf32> to vector<8x608x64xf32>
    %slice3A_81 = vector.extract_strided_slice %max3A_18 {offsets = [4, 1, 0], sizes = [8, 608, 64], strides = [1, 1, 1]} : vector<16x612x64xf32> to vector<8x608x64xf32>
    %slice3A_82 = vector.extract_strided_slice %max3A_18 {offsets = [4, 2, 0], sizes = [8, 608, 64], strides = [1, 1, 1]} : vector<16x612x64xf32> to vector<8x608x64xf32>
    %slice3A_83 = vector.extract_strided_slice %max3A_18 {offsets = [4, 3, 0], sizes = [8, 608, 64], strides = [1, 1, 1]} : vector<16x612x64xf32> to vector<8x608x64xf32>
    %slice3A_84 = vector.extract_strided_slice %max3A_18 {offsets = [4, 4, 0], sizes = [8, 608, 64], strides = [1, 1, 1]} : vector<16x612x64xf32> to vector<8x608x64xf32>
    %concatenate3A_85 = tpu.concatenate %slice3A_80, %slice3A_81, %slice3A_82, %slice3A_83, %slice3A_84 in 2 : vector<8x608x64xf32>, vector<8x608x64xf32>, vector<8x608x64xf32>, vector<8x608x64xf32>, vector<8x608x64xf32> -> vector<8x608x320xf32>
    %reshape3A_86 = vector.shape_cast %concatenate3A_85 : vector<8x608x320xf32> to vector<4864x320xf32>
    %convert_element_type3A_87 = arith.truncf %reshape3A_86 : vector<4864x320xf32> to vector<4864x320xbf16>
    %get3A_88 = arith.constant 4 : index
    %get3A_89 = arith.constant 0 : index
    %get3A_90 = arith.constant 0 : index
    %get3A_91 = vector.load %arg3[%get3A_88, %get3A_89, %get3A_90] : memref<5x320x32xbf16, #tpu.memory_space<vmem>>, vector<1x320x32xbf16>
    %get3A_92 = vector.shape_cast %get3A_91 : vector<1x320x32xbf16> to vector<320x32xbf16>
    %dot_general3A_93 = arith.constant dense<0.000000e+00> : vector<4864x32xf32>
    %dot_general3A_94 = tpu.matmul %convert_element_type3A_87, %get3A_92, %dot_general3A_93 {dimension_numbers = #tpu.dot_dimension_numbers<[1], [0], [0], [1], [0, 0, 1, 1], [], []>, transpose_lhs_hint = false} : vector<4864x320xbf16>, vector<320x32xbf16>, vector<4864x32xf32> -> vector<4864x32xf32>
    %add3A_95 = arith.addf %add3A_79, %dot_general3A_94 : vector<4864x32xf32>
    %get3A_96 = arith.constant 0 : index
    %get3A_97 = arith.constant 0 : index
    %get3A_98 = vector.load %arg7[%get3A_96, %get3A_97] : memref<4864x32xf32, #tpu.memory_space<vmem>>, vector<4864x32xf32>
    %add3A_99 = arith.addf %add3A_95, %get3A_98 : vector<4864x32xf32>
    %get3A_100 = arith.constant 0 : index
    %get3A_101 = arith.constant 0 : index
    %get3A_102 = vector.load %arg6[%get3A_100, %get3A_101] : memref<4864x8xf32, #tpu.memory_space<vmem>>, vector<4864x8xf32>
    %reduce_max3A = arith.constant dense<0xFF800000> : vector<4864xf32>
    %reduce_max3A_103 = vector.multi_reduction <maximumf>, %get3A_102, %reduce_max3A [1] : vector<4864x8xf32> to vector<4864xf32>
    %broadcast_in_dim3A_104 = vector.shape_cast %reduce_max3A_103 : vector<4864xf32> to vector<4864x1xf32>
    %eq3A = arith.constant 0 : i32
    %eq3A_105 = arith.cmpi eq, %arg0, %eq3A : i32
    %convert_element_type3A_106 = arith.extui %eq3A_105 : i1 to i32
    %cond3A = arith.constant 0 : i32
    %cond3A_107 = arith.cmpi ne, %convert_element_type3A_106, %cond3A : i32
    scf.if %cond3A_107 {
      %broadcast_in_dim3A_141 = arith.constant 0.000000e+00 : f32
      %broadcast_in_dim3A_142 = vector.broadcast %broadcast_in_dim3A_141 : f32 to vector<8x32xf32>
      %swap3A_143 = arith.constant 0 : index
      %swap3A_144 = arith.constant 0 : index
      %swap3A_145 = vector.load %arg9[%swap3A_143, %swap3A_144] : memref<8x32xf32, #tpu.memory_space<vmem>>, vector<8x32xf32>
      tpu.vector_store %arg9[%swap3A_143, %swap3A_144], %broadcast_in_dim3A_142 {strides = array<i32>} : memref<8x32xf32, #tpu.memory_space<vmem>>, vector<8x32xf32>,
    } else {
    }
    %mul3A_108 = vector.broadcast %broadcast_in_dim3A_104 : vector<4864x1xf32> to vector<4864x32xf32>
    %mul3A_109 = arith.mulf %add3A_99, %mul3A_108 : vector<4864x32xf32>
    %get3A_110 = arith.constant 0 : index
    %get3A_111 = arith.constant 0 : index
    %get3A_112 = vector.load %arg9[%get3A_110, %get3A_111] : memref<8x32xf32, #tpu.memory_space<vmem>>, vector<1x32xf32>
    %reduce_sum3A = arith.constant dense<0.000000e+00> : vector<32xf32>
    %reduce_sum3A_113 = vector.multi_reduction <add>, %mul3A_109, %reduce_sum3A [0] : vector<4864x32xf32> to vector<32xf32>
    %broadcast_in_dim3A_114 = vector.shape_cast %reduce_sum3A_113 : vector<32xf32> to vector<1x32xf32>
    %add3A_115 = arith.addf %get3A_112, %broadcast_in_dim3A_114 : vector<1x32xf32>
    %swap3A = arith.constant 0 : index
    %swap3A_116 = arith.constant 0 : index
    %swap3A_117 = vector.load %arg9[%swap3A, %swap3A_116] : memref<8x32xf32, #tpu.memory_space<vmem>>, vector<1x32xf32>
    tpu.vector_store %arg9[%swap3A, %swap3A_116], %add3A_115 {strides = array<i32>} : memref<8x32xf32, #tpu.memory_space<vmem>>, vector<1x32xf32>,
    %get3A_118 = arith.constant 1 : index
    %get3A_119 = arith.constant 0 : index
    %get3A_120 = vector.load %arg9[%get3A_118, %get3A_119] : memref<8x32xf32, #tpu.memory_space<vmem>>, vector<1x32xf32>
    %mul3A_121 = arith.mulf %mul3A_109, %add3A_99 : vector<4864x32xf32>
    %reduce_sum3A_122 = arith.constant dense<0.000000e+00> : vector<32xf32>
    %reduce_sum3A_123 = vector.multi_reduction <add>, %mul3A_121, %reduce_sum3A_122 [0] : vector<4864x32xf32> to vector<32xf32>
    %broadcast_in_dim3A_124 = vector.shape_cast %reduce_sum3A_123 : vector<32xf32> to vector<1x32xf32>
    %add3A_125 = arith.addf %get3A_120, %broadcast_in_dim3A_124 : vector<1x32xf32>
    %swap3A_126 = arith.constant 1 : index
    %swap3A_127 = arith.constant 0 : index
    %swap3A_128 = vector.load %arg9[%swap3A_126, %swap3A_127] : memref<8x32xf32, #tpu.memory_space<vmem>>, vector<1x32xf32>
    tpu.vector_store %arg9[%swap3A_126, %swap3A_127], %add3A_125 {strides = array<i32>} : memref<8x32xf32, #tpu.memory_space<vmem>>, vector<1x32xf32>,
    %mul3A_129 = vector.broadcast %broadcast_in_dim3A_104 : vector<4864x1xf32> to vector<4864x32xf32>
    %mul3A_130 = arith.mulf %add3A_99, %mul3A_129 : vector<4864x32xf32>
    %sub3A = arith.constant 1.000000e+00 : f32
    %sub3A_131 = vector.broadcast %sub3A : f32 to vector<4864x1xf32>
    %sub3A_132 = arith.subf %broadcast_in_dim3A_104, %sub3A_131 : vector<4864x1xf32>
    %mul3A_133 = arith.constant 1.000000e+30 : f32
    %mul3A_134 = vector.broadcast %mul3A_133 : f32 to vector<4864x1xf32>
    %mul3A_135 = arith.mulf %sub3A_132, %mul3A_134 : vector<4864x1xf32>
    %add3A_136 = vector.broadcast %mul3A_135 : vector<4864x1xf32> to vector<4864x32xf32>
    %add3A_137 = arith.addf %mul3A_130, %add3A_136 : vector<4864x32xf32>
    %swap3A_138 = arith.constant 0 : index
    %swap3A_139 = arith.constant 0 : index
    %swap3A_140 = vector.load %arg8[%swap3A_138, %swap3A_139] : memref<4864x32xf32, #tpu.memory_space<vmem>>, vector<4864x32xf32>
    tpu.vector_store %arg8[%swap3A_138, %swap3A_139], %add3A_137 {strides = array<i32>} : memref<4864x32xf32, #tpu.memory_space<vmem>>, vector<4864x32xf32>,
    return
  }
  func.func @transform_0(%arg0: i32) -> (i32, i32, i32) {
    %c0_i32 = arith.constant 0 : i32
    %c0_i32_0 = arith.constant 0 : i32
    %c0_i32_1 = arith.constant 0 : i32
    return %arg0, %c0_i32, %c0_i32_0 : i32, i32, i32
  }
  func.func @transform_1(%arg0: i32) -> (i32, i32, i32) {
    %add3A = arith.constant 1 : i32
    %add3A_0 = arith.addi %arg0, %add3A : i32
    %c0_i32 = arith.constant 0 : i32
    %c0_i32_1 = arith.constant 0 : i32
    %c0_i32_2 = arith.constant 0 : i32
    return %add3A_0, %c0_i32, %c0_i32_1 : i32, i32, i32
  }
  func.func @transform_2(%arg0: i32) -> (i32, i32, i32) {
    %c0_i32 = arith.constant 0 : i32
    %c0_i32_0 = arith.constant 0 : i32
    %c0_i32_1 = arith.constant 0 : i32
    %c0_i32_2 = arith.constant 0 : i32
    return %c0_i32, %c0_i32_0, %c0_i32_1 : i32, i32, i32
  }
  func.func @transform_3(%arg0: i32) -> (i32, i32, i32) {
    %c0_i32 = arith.constant 0 : i32
    %c0_i32_0 = arith.constant 0 : i32
    %c0_i32_1 = arith.constant 0 : i32
    %c0_i32_2 = arith.constant 0 : i32
    return %c0_i32, %c0_i32_0, %c0_i32_1 : i32, i32, i32
  }
  func.func @transform_4(%arg0: i32) -> (i32, i32, i32) {
    %c0_i32 = arith.constant 0 : i32
    %c0_i32_0 = arith.constant 0 : i32
    %c0_i32_1 = arith.constant 0 : i32
    %c0_i32_2 = arith.constant 0 : i32
    return %c0_i32, %c0_i32_0, %c0_i32_1 : i32, i32, i32
  }
  func.func @transform_5(%arg0: i32) -> (i32, i32) {
    %c0_i32 = arith.constant 0 : i32
    %c0_i32_0 = arith.constant 0 : i32
    return %arg0, %c0_i32 : i32, i32
  }
  func.func @transform_6(%arg0: i32) -> (i32, i32) {
    %c0_i32 = arith.constant 0 : i32
    %c0_i32_0 = arith.constant 0 : i32
    return %arg0, %c0_i32 : i32, i32
  }
  func.func @transform_7(%arg0: i32) -> (i32, i32) {
    %c0_i32 = arith.constant 0 : i32
    %c0_i32_0 = arith.constant 0 : i32
    return %arg0, %c0_i32 : i32, i32
  }
  func.func @transform_8(%arg0: i32) -> (i32, i32) {
    %c0_i32 = arith.constant 0 : i32
    %c0_i32_0 = arith.constant 0 : i32
    %c0_i32_1 = arith.constant 0 : i32
    return %c0_i32, %c0_i32_0 : i32, i32
  }
}

module attributes {stable_mosaic.version = 14 : i64} {
  func.func @_k4_body(%arg0: i32, %arg1: memref<4864x32xf32, #tpu.memory_space<vmem>>, %arg2: memref<1x32xf32, #tpu.memory_space<vmem>>, %arg3: memref<1x32xf32, #tpu.memory_space<vmem>>, %arg4: memref<4864x32xf32, #tpu.memory_space<vmem>>) attributes {dimension_semantics = [#tpu.dimension_semantics<arbitrary>], iteration_bounds = array<i64: 22>, scalar_prefetch = 0 : i64, scratch_operands = 0 : i64, tpu.core_type = #tpu.core_type<tc>, window_params = [{transform_indices = @transform_0, window_bounds = array<i64: 4864, 32>}, {pipeline_mode = #tpu.pipeline_mode<synchronous>, transform_indices = @transform_1, window_bounds = array<i64: 1, 32>}, {pipeline_mode = #tpu.pipeline_mode<synchronous>, transform_indices = @transform_2, window_bounds = array<i64: 1, 32>}, {transform_indices = @transform_3, window_bounds = array<i64: 4864, 32>}]} {
    %get3A = arith.constant 0 : index
    %get3A_0 = arith.constant 0 : index
    %get3A_1 = vector.load %arg1[%get3A, %get3A_0] : memref<4864x32xf32, #tpu.memory_space<vmem>>, vector<4864x32xf32>
    %get3A_2 = arith.constant 0 : index
    %get3A_3 = arith.constant 0 : index
    %get3A_4 = vector.load %arg2[%get3A_2, %get3A_3] : memref<1x32xf32, #tpu.memory_space<vmem>>, vector<1x32xf32>
    %mul3A = vector.broadcast %get3A_4 : vector<1x32xf32> to vector<4864x32xf32>
    %mul3A_5 = arith.mulf %get3A_1, %mul3A : vector<4864x32xf32>
    %get3A_6 = arith.constant 0 : index
    %get3A_7 = arith.constant 0 : index
    %get3A_8 = vector.load %arg3[%get3A_6, %get3A_7] : memref<1x32xf32, #tpu.memory_space<vmem>>, vector<1x32xf32>
    %add3A = vector.broadcast %get3A_8 : vector<1x32xf32> to vector<4864x32xf32>
    %add3A_9 = arith.addf %mul3A_5, %add3A : vector<4864x32xf32>
    %max3A = arith.constant 0.000000e+00 : f32
    %max3A_10 = vector.broadcast %max3A : f32 to vector<4864x32xf32>
    %max3A_11 = arith.maximumf %add3A_9, %max3A_10 : vector<4864x32xf32>
    %swap3A = arith.constant 0 : index
    %swap3A_12 = arith.constant 0 : index
    %swap3A_13 = vector.load %arg4[%swap3A, %swap3A_12] : memref<4864x32xf32, #tpu.memory_space<vmem>>, vector<4864x32xf32>
    tpu.vector_store %arg4[%swap3A, %swap3A_12], %max3A_11 {strides = array<i32>} : memref<4864x32xf32, #tpu.memory_space<vmem>>, vector<4864x32xf32>,
    return
  }
  func.func @transform_0(%arg0: i32) -> (i32, i32) {
    %c0_i32 = arith.constant 0 : i32
    %c0_i32_0 = arith.constant 0 : i32
    return %arg0, %c0_i32 : i32, i32
  }
  func.func @transform_1(%arg0: i32) -> (i32, i32) {
    %c0_i32 = arith.constant 0 : i32
    %c0_i32_0 = arith.constant 0 : i32
    %c0_i32_1 = arith.constant 0 : i32
    return %c0_i32, %c0_i32_0 : i32, i32
  }
  func.func @transform_2(%arg0: i32) -> (i32, i32) {
    %c0_i32 = arith.constant 0 : i32
    %c0_i32_0 = arith.constant 0 : i32
    %c0_i32_1 = arith.constant 0 : i32
    return %c0_i32, %c0_i32_0 : i32, i32
  }
  func.func @transform_3(%arg0: i32) -> (i32, i32) {
    %c0_i32 = arith.constant 0 : i32
    %c0_i32_0 = arith.constant 0 : i32
    return %arg0, %c0_i32 : i32, i32
  }
}

</mosaic_0001>

<sc_bundles>
// kernel: kernel.8.cloned.1.call-start
scs
__scs_entry_jumppad:
0x0: {  	(pc) =	sbr.rel $0x88, $3  }
0x1: {  	(tag) =	ssettag $0x0;
	lr =	simm.s32 $0x1  }
0x2: {  	[smem:$0x3F90] =	sst lr;
	_ =	strace $0xD0000000  }
0x3: {  	_ = 	snop  }
0x4: {  	_ = 	snop  }
0x5: {  	_ = 	snop  }
0x6: {  	_ = 	snop  }
0x7: {  	_ = 	snop  }
__scs_overlays_trampoline_lowered:
0x8: {  	[smem:$0x3F9F] =	sst s0  }
0x9: {  	[smem:$0x3FA0] =	sst s1  }
0xa: {  	[smem:$0x3FA1] =	sst s2  }
0xb: {  	[smem:$0x3FA2] =	sst s3  }
0xc: {  	[smem:$0x3FA3] =	sst s4  }
0xd: {  	[smem:$0x3FA4] =	sst s5  }
0xe: {  	[smem:$0x3FA5] =	sst s6  }
0xf: {  	[smem:$0x3FA6] =	sst s7  }
0x10: {  	[smem:$0x3FA7] =	sst s8  }
0x11: {  	[smem:$0x3FA8] =	sst s9;
	s0 =	simm.s32 @!p0 $0x0  }
0x12: {  	s1 =	sld [smem:$0x3F8E];
	s0 =	simm.s32 @p0 $0x1  }
0x13: {  	[smem:$0x3FA9] =	sst s0;
	s0 =	simm.s32 @!p1 $0x0  }
0x14: {  	s2 =	sld [smem:$0x3F8D];
	s0 =	simm.s32 @p1 $0x1  }
0x15: {  	[smem:$0x3FAA] =	sst s0;
	s0 =	simm.s32 @!p2 $0x0  }
0x16: {  	s3 =	sld [smem:$0x3FDB];
	s0 =	simm.s32 @p2 $0x1  }
0x17: {  	s4 =	simm.s32 $0x1BF5;
	[smem:$0x3FAC] =	sst s0  }
0x18: {  	s0 =	sld [smem:$0x3F8F];
	_ =	swait.ge [sflag:s4], $0x0  }
0x19: {  	s7 =	sld [smem:$0x3F90]  }
0x1a: {  	s8 =	sadd.s32 $0xFFFFE003, lr  }
0x1b: {  	s9 =	sadd.s32 $0xFFFFFEF7, lr;
	s5 =	simm.s32 $0xFFFFFFFF;
	p2 =	slt.u32 s8, $0xFFFFF086  }
0x1c: {  	p1 =	slt.u32 s9, $0xF7A;
	s5 =	simm.s32 @!p2 $0x0  }
0x1d: {  	s5 =	simm.s32 @p1 $0x1;
	p0 =	seq.s32 s7, s2  }
0x1e: {  	s7 =	smul.u32 @!p0 $0xF7A, s2;
	p2 =	seq.s32 @!p0 s5, $0x0  }
0x1f: {  	s9 =	smul.u32 $0xF7A, s1;
	s8 =	simm.s32 @!p0 $0x1BF5;
	p2 =	por !p2, p0  }
0x20: {  	[sflag:s8] =	ssyncset.s32 @!p0 $0xFFFFF086;
	s6 =	sadd.s32 @!p0 s3, s7;
	s7 =	simm.s32 @!p0 $0x108  }
0x21: {  	s3 =	sadd.s32 s3, s9;
	s6 =	sadd.s32 @!p0 $0x88, s6;
	s7 =	simm.s32 @p2 $0x1082  }
0x22: {  	[simem:s7], [sflag:s8] =	dma.local @!p0 [hbm:s6], $0xF7A  }
0x23: {  	s9 =	sor.u32 $0xD0000000, s2;
	s6 =	simm.s32 $0x108;
	_ =	swait.ge @!p0 [sflag:s8], $0x0  }
0x24: {  	s3 =	sadd.s32 $0x88, s3;
	s6 =	simm.s32 @!p1 $0x1082;
	[sflag:s4] =	ssyncset.s32 $0xFFFFF086  }
0x25: {  	[simem:s6], [sflag:s4] =	dma.local [hbm:s3], $0xF7A  }
0x26: {  	[smem:$0x3F90] =	sst s1;
	(tag) =	ssettag s2;
	_ =	strace s9  }
0x27: {  	s1 =	sld [smem:$0x3FA0]  }
0x28: {  	s2 =	sld [smem:$0x3FA1]  }
0x29: {  	s4 =	sld [smem:$0x3FA3]  }
0x2a: {  	p0 =	seq.s32 s5, $0x0;
	s5 =	sld [smem:$0x3FA4]  }
0x2b: {  	s6 =	sld [smem:$0x3FA5]  }
0x2c: {  	s7 =	sld [smem:$0x3FA6]  }
0x2d: {  	s3 =	simm.s32 $0x108;
	s8 =	sld [smem:$0x3FA7]  }
0x2e: {  	s3 =	simm.s32 @!p0 $0x1082;
	s9 =	sld [smem:$0x3FA8]  }
0x2f: {  	lr =	sadd.s32 s0, s3;
	s0 =	sld [smem:$0x3F9F]  }
0x30: {  	s3 =	sld [smem:$0x3FA2]  }
0x31: {  	[smem:$0x3FAB] =	sst s10  }
0x32: {  	s10 =	sld [smem:$0x3FA9];
	_ =	sdelay $0x3  }
0x33: {  	p0 =	seq.s32 s10, $0x1;
	s10 =	sld [smem:$0x3FAB];
	_ =	sdelay $0x3  }
0x34: {  	[smem:$0x3FAB] =	sst s10  }
0x35: {  	s10 =	sld [smem:$0x3FAA];
	_ =	sdelay $0x3  }
0x36: {  	p1 =	seq.s32 s10, $0x1;
	s10 =	sld [smem:$0x3FAB];
	_ =	sdelay $0x3  }
0x37: {  	[smem:$0x3FAB] =	sst s10  }
0x38: {  	s10 =	sld [smem:$0x3FAC]  }
0x39: {  	_ = 	snop;
	(pc) =	sbr.ind lr, $3  }
0x3a: {  	_ = 	snop  }
0x3b: {  	_ = 	snop  }
0x3c: {  	p2 =	seq.s32 s10, $0x1;
	s10 =	sld [smem:$0x3FAB]  }
0x3d: {  	_ =	shalt  }
0x3e: {  	_ =	shalt  }
0x3f: {  	_ =	shalt  }
0x40: {  	_ =	shalt  }
0x41: {  	_ =	shalt  }
0x42: {  	_ =	shalt  }
0x43: {  	_ =	shalt  }
0x44: {  	_ =	shalt  }
0x45: {  	_ =	shalt  }
0x46: {  	_ =	shalt  }
0x47: {  	_ =	shalt  }
0x48: {  	_ =	shalt  }
0x49: {  	_ =	shalt  }
0x4a: {  	_ =	shalt  }
0x4b: {  	_ =	shalt  }
0x4c: {  	_ =	shalt  }
0x4d: {  	_ =	shalt  }
0x4e: {  	_ =	shalt  }
0x4f: {  	_ =	shalt  }
0x50: {  	_ =	shalt  }
0x51: {  	_ =	shalt  }
0x52: {  	_ =	shalt  }
0x53: {  	_ =	shalt  }
0x54: {  	_ =	shalt  }
0x55: {  	_ =	shalt  }
0x56: {  	_ =	shalt  }
0x57: {  	_ =	shalt  }
0x58: {  	_ =	shalt  }
0x59: {  	_ =	shalt  }
0x5a: {  	_ =	shalt  }
0x5b: {  	_ =	shalt  }
0x5c: {  	_ =	shalt  }
0x5d: {  	_ =	shalt  }
0x5e: {  	_ =	shalt  }
0x5f: {  	_ =	shalt  }
0x60: {  	_ =	shalt  }
0x61: {  	_ =	shalt  }
0x62: {  	_ =	shalt  }
0x63: {  	_ =	shalt  }
0x64: {  	_ =	shalt  }
0x65: {  	_ =	shalt  }
0x66: {  	_ =	shalt  }
0x67: {  	_ =	shalt  }
0x68: {  	_ =	shalt  }
0x69: {  	_ =	shalt  }
0x6a: {  	_ =	shalt  }
0x6b: {  	_ =	shalt  }
0x6c: {  	_ =	shalt  }
0x6d: {  	_ =	shalt  }
0x6e: {  	_ =	shalt  }
0x6f: {  	_ =	shalt  }
0x70: {  	_ =	shalt  }
0x71: {  	_ =	shalt  }
0x72: {  	_ =	shalt  }
0x73: {  	_ =	shalt  }
0x74: {  	_ =	shalt  }
0x75: {  	_ =	shalt  }
0x76: {  	_ =	shalt  }
0x77: {  	_ =	shalt  }
0x78: {  	_ =	shalt  }
0x79: {  	_ =	shalt  }
0x7a: {  	_ =	shalt  }
0x7b: {  	_ =	shalt  }
0x7c: {  	_ =	shalt  }
0x7d: {  	_ =	shalt  }
0x7e: {  	_ =	shalt  }
0x7f: {  	_ =	shalt  }
0x80: {  	_ =	shalt  }
0x81: {  	_ =	shalt  }
0x82: {  	_ =	shalt  }
0x83: {  	_ =	shalt  }
0x84: {  	_ =	shalt  }
0x85: {  	_ =	shalt  }
0x86: {  	_ =	shalt  }
0x87: {  	_ =	shalt  }
.Lfunc_end0:
.L_simem_size_0:
called_computation_lowered:
.L_overlay_start_0:
0x88: {  	s2 =	sld [smem:$0x3FD9]  }
0x89: {  	s3 =	sld [smem:$0x3FFE];
	_ =	sdelay $0x1  }
0x8a: {  	s1 =	srdreg.scid  }
0x8b: {  	s0 =	sand.u32 $0x1, s1  }
0x8c: {  	s17 =	sshll.u32 s0, $0xA;
	s2 =	sadd.s32 s3, s2  }
0x8d: {  	s2 =	sadd.s32 s2, s17  }
0x8e: {  	[smem:$0x3FB7] =	sst s2  }
0x8f: {  	_ = 	snop  }
0x90: {  	s2 =	sld [smem:$0x3FD0];
	(tm) =	ssettm $0x1  }
0x91: {  	s18 =	sld [smem:$0x3FFB];
	_ =	sdelay $0x3  }
0x92: {  	_ =	strace s18  }
0x93: {  	s3 =	sld [smem:$0x3FFC];
	_ =	sdelay $0x3  }
0x94: {  	_ =	strace s3  }
0x95: {  	s3 =	sld [smem:$0x3FFD];
	_ =	sdelay $0x3  }
0x96: {  	_ =	strace s3  }
0x97: {  	_ =	strace $0x8FFFFFFF  }
0x98: {  	s19 =	sld [smem:$0x3FDB];
	_ =	sdelay $0x1  }
0x99: {  	s4 =	simm.s32 $_scs_section_size  }
0x9a: {  	s5 =	simm.s32 $_size__tile_overlayer_lowered;
	s6 =	simm.s32 $_tile_overlayer_lowered  }
0x9b: {  	s22 =	simm.s32 $0x1BFF;
	s21 =	sshll.u32 s6, $0x1;
	s3 =	sadd.s32 s4, s19  }
0x9c: {  	s7 =	simm.s32 $0x0;
	s20 =	sshll.u32 s5, $0x1;
	s5 =	sadd.s32 s21, s3  }
0x9d: {  	[timem:s7], [sflag:s22] =	dma.local [hbm:s5], s20  }
0x9e: {  	_ =	swait.ge [sflag:s22], s20  }
0x9f: {  	s4 =	ssub.s32 $0x0, s20;
	[sflag:s22] =	ssyncset.done $0x0  }
0xa0: {  	[sflag:s22] =	ssyncadd.s32 s4;
	_ =	sdelay $0x1  }
0xa1: {  	s23 =	simm.s32 $0x1B8B  }
0xa2: {  	_ =	swait.ge [sflag:s23], $0x1  }
0xa3: {  	[sflag:s23] =	ssyncset.done $0x0  }
0xa4: {  	s25 =	simm.s32 $0x1B8E;
	s24 =	sld [smem:$0x3FFE];
	[sflag:s23] =	ssyncadd.s32 $0xFFFFFFFF  }
0xa5: {  	s26 =	simm.s32 $execute0_lowered;
	[smem:$0x3FD2] =	sst s25  }
0xa6: {  	s5 =	sshll.u32 s26, $0x1;
	_ =	strace $0x80000046;
	[dreg:$0x1] =	wrdreg $0xFFFFFFFF  }
0xa7: {  	s28 =	simm.s32 $_size_execute0_lowered;
	s3 =	sadd.s32 s3, s5;
	[dreg:$0x0] =	wrdreg $0x0  }
0xa8: {  	s5 =	sshll.u32 s28, $0x1;
	[dreg:$0x2] =	wrdreg s3  }
0xa9: {  	[dreg:$0x3] =	wrdreg s5  }
0xaa: {  	[dreg:$0x4] =	wrdreg $0xC0  }
0xab: {  	_ =	task [dreg:s7], $0x5FFFF  }
0xac: {  	[dreg:$0x1] =	wrdreg $0xFFFFFFFF  }
0xad: {  	[dreg:$0x0] =	wrdreg $0x60  }
0xae: {  	[dreg:$0x2] =	wrdreg s24  }
0xaf: {  	[dreg:$0x3] =	wrdreg s2  }
0xb0: {  	[dreg:$0x4] =	wrdreg $0x15E800  }
0xb1: {  	[dreg:$0x5] =	wrdreg $0x178C00  }
0xb2: {  	[dreg:$0x6] =	wrdreg $0x9  }
0xb3: {  	_ =	task.clear_ibuf [dreg:s7], $0x7FFFF;
	_ =	strace $0x90000046  }
0xb4: {  	s29 =	simm.s32 $0x9;
	_ =	strace $0x80000048  }
0xb5: {  	_ =	swait.ge [sflag:s29], $0x1  }
0xb6: {  	[sflag:s29] =	ssyncadd.s32 $0xFFFFFFFF  }
0xb7: {  	_ =	strace $0x90000048  }
0xb8: {  	_ =	sfence  }
0xb9: {  	s30 =	sld [smem:$0x0];
	_ =	sdelay $0x2  }
0xba: {  	s31 =	sshll.u32 s1, $0xD;
	s1 =	sshrl.u32 s1, $0x2  }
0xbb: {  	s3 =	sand.u32 $0x4000, s31;
	s1 =	sadd.s32 s1, s30  }
0xbc: {  	s0 =	sor.u32 s3, s0;
	s1 =	sshll.u32 s1, $0x11  }
0xbd: {  	s0 =	sor.u32 s1, s0  }
0xbe: {  	s0 =	sadd.s32 $0x8F2B, s0  }
0xbf: {  	[sflag:s0] =	ssyncadd.remote.s32 $0x1  }
0xc0: {  	_ =	sfence.sel $0xFFFF  }
0xc1: {  	[dreg:$0x0] =	wrdreg $0xFFFFFFFF;
	(pc) =	sbr.abs _section_cstart, $3  }
0xc2: {  	[dreg:$0x1] =	wrdreg $0xFFFFFFFF  }
0xc3: {  	_ =	task.clear_ibuf [dreg:s7], $0x2FFFF;
	_ =	strace $0x9FFFFFFF  }
0xc4: {  	(tm) =	ssettm $0x7FFFFFFF  }
0xc5: {  	_ =	shalt  }
tec
execute0_lowered:
.L_overlay_start_1:
0x0: {  	(tag) =	ssettag $0x1  }
0x1: {  	s8 =	rddreg [dreg:$0x0]  }
0x2: {  	s10 =	rddreg [dreg:$0x1]  }
0x3: {  	s1 =	rddreg [dreg:$0x2]  }
0x4: {  	s2 =	rddreg [dreg:$0x3]  }
0x5: {  	s3 =	srdreg.scid;
	s0 =	rddreg [dreg:$0x4]  }
0x6: {  	s4 =	simm.s32 $0x0;
	s16 =	simm.s32 $0x1;
	s17 =	simm.s32 $0x80  }
0x7: {  	s18 =	simm.s32 $0x400;
	s19 =	simm.s32 $0x10080;
	s20 =	simm.s32 $0x13B00  }
0x8: {  	s21 =	simm.s32 $0x14380;
	s22 =	simm.s32 $0x14300;
	s23 =	simm.s32 $0x0  }
0x9: {  	s9 =	sand.u32 $0x1, s3;
	s3 =	stileid.u32;
	[smem:$0x7FF] =	sst s4  }
0xa: {  	s7 =	sadd.s32 $0x7200, s8;
	s5 =	sshll.u32 s9, $0x4;
	s12 =	smul.u32 $0x1A40, s3  }
0xb: {  	_ =	strace $0x80000047;
	s14 =	smul.u32 $0x1A400, s9;
	s15 =	sshll.u32 s3, $0x7  }
0xc: {  	s9 =	ssub.s32 $0x2, s9;
	s11 =	sor.u32 s3, s5;
	s5 =	sadd.s32 $0x5000, s8  }
0xd: {  	s15 =	sand.u32 $0x380, s15;
	s6 =	sshll.u32 s11, $0x8;
	s11 =	sshrl.u32 s11, $0x3  }
0xe: {  	s30 =	sshrl.u32 s9, $0x1;
	s14 =	sadd.s32 s12, s14;
	s11 =	smul.u32 $0x1D400, s11  }
0xf: {  	s31 =	ssub.s32 s9, s30;
	s9 =	sadd.s32 s12, s2;
	s13 =	sadd.s32 s6, s8  }
0x10: {  	s6 =	sadd.s32 $0x7400, s8;
	s14 =	sshrl.u32 s14, $0x3;
	s11 =	sor.u32 s15, s11  }
0x11: {  	s14 =	sadd.s32 s14, s8;
	s8 =	sadd.s32 s12, s1;
	s11 =	sshrl.u32 s11, $0x3  }
0x12: {  	s12 =	sadd.s32 $0x7800, s14;
	s15 =	simm.s32 $0x14400;
	s10 =	sadd.s32 s10, s11  }
0x13: {  	s11 =	sadd.s32 $0x3000, s13;
	s13 =	sadd.s32 $0xE200, s14;
	s14 =	smax.u32 s31, $0x1  }
.LBB2_1:
0x14: {  	[tilespmem:s15], [sflag:$0x1] =	stream.linear.gather [hbm4b:s6+s4], $0x1A80, $0x38;
	[tilespmem:$0x19300] =	vst v63  }
0x15: {  	_ =	swait.ge [sflag:s16], $0x1A80  }
0x16: {  	[sflag:s16] =	ssyncset.done $0x0  }
0x17: {  	[sflag:s16] =	ssyncadd.s32 $0xFFFFE580  }
0x18: {  	[spmem:s8] =	stream.linear.scatter [tilespmem:s15], [sflag:$0x1], $0x1A40, $0x38;
	[tilespmem:$0x19300] =	vst v63  }
0x19: {  	_ =	swait.ge [sflag:s16], $0x1A40  }
0x1a: {  	[sflag:s16] =	ssyncset.done $0x0  }
0x1b: {  	[sflag:s16] =	ssyncadd.s32 $0xFFFFE5C0  }
0x1c: {  	[spmem:s9] =	stream.linear.scatter [tilespmem:s15], [sflag:$0x1], $0x1A40, $0x38;
	[tilespmem:$0x19300] =	vst v63  }
0x1d: {  	_ =	swait.ge [sflag:s16], $0x1A40  }
0x1e: {  	[sflag:s16] =	ssyncset.done $0x0  }
0x1f: {  	[sflag:s16] =	ssyncadd.s32 $0xFFFFE5C0  }
0x20: {  	[tilespmem:s4], [sflag:$0x1] =	stream.linear.gather [hbm4b:s5+s4], $0x10080, $0x38;
	[tilespmem:$0x19300] =	vst v63  }
0x21: {  	_ =	swait.ge [sflag:s16], $0x10080  }
0x22: {  	[sflag:s16] =	ssyncset.done $0x0  }
0x23: {  	[sflag:s16] =	ssyncadd.s32 $0xFFFEFF80  }
0x24: {  	[tilespmem:s19], [sflag:$0x1] =	stream.strided.gather [hbm4b:s10+s17], $0x3A80, s18, s17, $0x38;
	[tilespmem:$0x19300] =	vst v63  }
0x25: {  	_ =	swait.ge [sflag:s16], $0x3A80  }
0x26: {  	[sflag:s16] =	ssyncset.done $0x0  }
0x27: {  	[sflag:s16] =	ssyncadd.s32 $0xFFFFC580  }
0x28: {  	[tilespmem:s20], [sflag:$0x1] =	stream.linear.gather [hbm4b:s11+s4], $0x680, $0x38;
	[tilespmem:$0x19300] =	vst v63  }
0x29: {  	_ =	swait.ge [sflag:s16], $0x680  }
0x2a: {  	[sflag:s16] =	ssyncset.done $0x0  }
0x2b: {  	[sflag:s16] =	ssyncadd.s32 $0xFFFFF980  }
0x2c: {  	[tilespmem:s21], [sflag:$0x1] =	stream.linear.gather [hbm4b:s7+s4], $0x80, $0x38;
	[tilespmem:$0x19300] =	vst v63  }
0x2d: {  	_ =	swait.ge [sflag:s16], $0x80  }
0x2e: {  	[sflag:s16] =	ssyncset.done $0x0  }
0x2f: {  	[sflag:s16] =	ssyncadd.s32 $0xFFFFFF80  }
0x30: {  	s24 =	simm.s32 $0x0;
	[bflag:$0x0] =	sbarrier.arrive $0xFFFF  }
.LBB2_2:
0x31: {  	s25 =	sshra.s32 s24, $0x2  }
0x32: {  	v0 =	vld [tilespmem:s25+$0x10080]  }
0x33: {  	v1 =	vld [tilespmem:s25+$0x10700]  }
0x34: {  	v2 =	vld [tilespmem:s25+$0x10D80]  }
0x35: {  	v3 =	vld [tilespmem:s25+$0x11400]  }
0x36: {  	v4 =	vld [tilespmem:s25+$0x11A80]  }
0x37: {  	v5 =	vld [tilespmem:s25+$0x12100]  }
0x38: {  	v6 =	vld [tilespmem:s25+$0x12780]  }
0x39: {  	v7 =	vld [tilespmem:s25+$0x12E00]  }
0x3a: {  	v8 =	vld [tilespmem:s25+$0x13480]  }
0x3b: {  	v0 =	vld.idx.msk [tilespmem:v0+s4+$0x0], $0xffff  }
0x3c: {  	v1 =	vld.idx.msk [tilespmem:v1+s4+$0x0], $0xffff  }
0x3d: {  	v2 =	vld.idx.msk [tilespmem:v2+s4+$0x0], $0xffff  }
0x3e: {  	v3 =	vld.idx.msk [tilespmem:v3+s4+$0x0], $0xffff  }
0x3f: {  	v4 =	vld.idx.msk [tilespmem:v4+s4+$0x0], $0xffff  }
0x40: {  	v5 =	vld.idx.msk [tilespmem:v5+s4+$0x0], $0xffff  }
0x41: {  	v36 =	vld.idx.msk [tilespmem:v6+s4+$0x0], $0xffff;
	v0 =	vmax.f32 v0, v1  }
0x42: {  	v37 =	vld.idx.msk [tilespmem:v7+s4+$0x0], $0xffff;
	v0 =	vmax.f32 v0, v2  }
0x43: {  	v38 =	vld.idx.msk [tilespmem:v8+s4+$0x0], $0xffff;
	v0 =	vmax.f32 v0, v3  }
0x44: {  	v0 =	vmax.f32 v0, v4  }
0x45: {  	v0 =	vmax.f32 v0, v5  }
0x46: {  	v0 =	vmax.f32 v0, v36  }
0x47: {  	v0 =	vmax.f32 v0, v37  }
0x48: {  	v0 =	vmax.f32 v0, v38  }
0x49: {  	[tilespmem:$0x14300] =	vst v0  }
0x4a: {  	v0 =	vld [tilespmem:s25+$0x10090]  }
0x4b: {  	v39 =	vld [tilespmem:s25+$0x10710]  }
0x4c: {  	v40 =	vld [tilespmem:s25+$0x10D90]  }
0x4d: {  	v41 =	vld [tilespmem:s25+$0x11410]  }
0x4e: {  	v42 =	vld [tilespmem:s25+$0x11A90]  }
0x4f: {  	v43 =	vld [tilespmem:s25+$0x12110]  }
0x50: {  	v44 =	vld [tilespmem:s25+$0x12790]  }
0x51: {  	v45 =	vld [tilespmem:s25+$0x12E10]  }
0x52: {  	v46 =	vld [tilespmem:s25+$0x13490]  }
0x53: {  	v0 =	vld.idx.msk [tilespmem:v0+s4+$0x0], $0xffff  }
0x54: {  	v1 =	vld.idx.msk [tilespmem:v39+s4+$0x0], $0xffff  }
0x55: {  	v2 =	vld.idx.msk [tilespmem:v40+s4+$0x0], $0xffff  }
0x56: {  	v3 =	vld.idx.msk [tilespmem:v41+s4+$0x0], $0xffff  }
0x57: {  	v4 =	vld.idx.msk [tilespmem:v42+s4+$0x0], $0xffff  }
0x58: {  	v5 =	vld.idx.msk [tilespmem:v43+s4+$0x0], $0xffff  }
0x59: {  	v47 =	vld.idx.msk [tilespmem:v44+s4+$0x0], $0xffff;
	v0 =	vmax.f32 v0, v1  }
0x5a: {  	v48 =	vld.idx.msk [tilespmem:v45+s4+$0x0], $0xffff;
	v0 =	vmax.f32 v0, v2  }
0x5b: {  	v49 =	vld.idx.msk [tilespmem:v46+s4+$0x0], $0xffff;
	v0 =	vmax.f32 v0, v3  }
0x5c: {  	v0 =	vmax.f32 v0, v4  }
0x5d: {  	v0 =	vmax.f32 v0, v5  }
0x5e: {  	v0 =	vmax.f32 v0, v47  }
0x5f: {  	v0 =	vmax.f32 v0, v48  }
0x60: {  	v0 =	vmax.f32 v0, v49  }
0x61: {  	[tilespmem:$0x14310] =	vst v0  }
0x62: {  	v0 =	vld [tilespmem:s25+$0x100A0]  }
0x63: {  	v50 =	vld [tilespmem:s25+$0x10720]  }
0x64: {  	v51 =	vld [tilespmem:s25+$0x10DA0]  }
0x65: {  	v52 =	vld [tilespmem:s25+$0x11420]  }
0x66: {  	v53 =	vld [tilespmem:s25+$0x11AA0]  }
0x67: {  	v54 =	vld [tilespmem:s25+$0x12120]  }
0x68: {  	v55 =	vld [tilespmem:s25+$0x127A0]  }
0x69: {  	v56 =	vld [tilespmem:s25+$0x12E20]  }
0x6a: {  	v57 =	vld [tilespmem:s25+$0x134A0]  }
0x6b: {  	v0 =	vld.idx.msk [tilespmem:v0+s4+$0x0], $0xffff  }
0x6c: {  	v1 =	vld.idx.msk [tilespmem:v50+s4+$0x0], $0xffff  }
0x6d: {  	v2 =	vld.idx.msk [tilespmem:v51+s4+$0x0], $0xffff  }
0x6e: {  	v3 =	vld.idx.msk [tilespmem:v52+s4+$0x0], $0xffff  }
0x6f: {  	v4 =	vld.idx.msk [tilespmem:v53+s4+$0x0], $0xffff  }
0x70: {  	v5 =	vld.idx.msk [tilespmem:v54+s4+$0x0], $0xffff  }
0x71: {  	v58 =	vld.idx.msk [tilespmem:v55+s4+$0x0], $0xffff;
	v0 =	vmax.f32 v0, v1  }
0x72: {  	v59 =	vld.idx.msk [tilespmem:v56+s4+$0x0], $0xffff;
	v0 =	vmax.f32 v0, v2  }
0x73: {  	v60 =	vld.idx.msk [tilespmem:v57+s4+$0x0], $0xffff;
	v0 =	vmax.f32 v0, v3  }
0x74: {  	v0 =	vmax.f32 v0, v4  }
0x75: {  	v0 =	vmax.f32 v0, v5  }
0x76: {  	v0 =	vmax.f32 v0, v58  }
0x77: {  	v0 =	vmax.f32 v0, v59  }
0x78: {  	v0 =	vmax.f32 v0, v60  }
0x79: {  	[tilespmem:$0x14320] =	vst v0  }
0x7a: {  	v0 =	vld [tilespmem:s25+$0x100B0]  }
0x7b: {  	v61 =	vld [tilespmem:s25+$0x10730]  }
0x7c: {  	v62 =	vld [tilespmem:s25+$0x10DB0]  }
0x7d: {  	v63 =	vld [tilespmem:s25+$0x11430]  }
0x7e: {  	v12 =	vld [tilespmem:s25+$0x11AB0]  }
0x7f: {  	v13 =	vld [tilespmem:s25+$0x12130]  }
0x80: {  	v14 =	vld [tilespmem:s25+$0x127B0]  }
0x81: {  	v15 =	vld [tilespmem:s25+$0x12E30]  }
0x82: {  	v16 =	vld [tilespmem:s25+$0x134B0]  }
0x83: {  	v0 =	vld.idx.msk [tilespmem:v0+s4+$0x0], $0xffff  }
0x84: {  	v1 =	vld.idx.msk [tilespmem:v61+s4+$0x0], $0xffff  }
0x85: {  	v2 =	vld.idx.msk [tilespmem:v62+s4+$0x0], $0xffff  }
0x86: {  	v3 =	vld.idx.msk [tilespmem:v63+s4+$0x0], $0xffff  }
0x87: {  	v4 =	vld.idx.msk [tilespmem:v12+s4+$0x0], $0xffff  }
0x88: {  	v5 =	vld.idx.msk [tilespmem:v13+s4+$0x0], $0xffff  }
0x89: {  	v17 =	vld.idx.msk [tilespmem:v14+s4+$0x0], $0xffff;
	v0 =	vmax.f32 v0, v1  }
0x8a: {  	v18 =	vld.idx.msk [tilespmem:v15+s4+$0x0], $0xffff;
	v0 =	vmax.f32 v0, v2  }
0x8b: {  	v19 =	vld.idx.msk [tilespmem:v16+s4+$0x0], $0xffff;
	v0 =	vmax.f32 v0, v3  }
0x8c: {  	v0 =	vmax.f32 v0, v4  }
0x8d: {  	v0 =	vmax.f32 v0, v5  }
0x8e: {  	v0 =	vmax.f32 v0, v17  }
0x8f: {  	v0 =	vmax.f32 v0, v18  }
0x90: {  	v0 =	vmax.f32 v0, v19  }
0x91: {  	[tilespmem:$0x14330] =	vst v0  }
0x92: {  	v0 =	vld [tilespmem:s25+$0x100C0]  }
0x93: {  	v20 =	vld [tilespmem:s25+$0x10740]  }
0x94: {  	v21 =	vld [tilespmem:s25+$0x10DC0]  }
0x95: {  	v22 =	vld [tilespmem:s25+$0x11440]  }
0x96: {  	v23 =	vld [tilespmem:s25+$0x11AC0]  }
0x97: {  	v24 =	vld [tilespmem:s25+$0x12140]  }
0x98: {  	v25 =	vld [tilespmem:s25+$0x127C0]  }
0x99: {  	v26 =	vld [tilespmem:s25+$0x12E40]  }
0x9a: {  	v27 =	vld [tilespmem:s25+$0x134C0]  }
0x9b: {  	v0 =	vld.idx.msk [tilespmem:v0+s4+$0x0], $0xffff  }
0x9c: {  	v1 =	vld.idx.msk [tilespmem:v20+s4+$0x0], $0xffff  }
0x9d: {  	v2 =	vld.idx.msk [tilespmem:v21+s4+$0x0], $0xffff  }
0x9e: {  	v3 =	vld.idx.msk [tilespmem:v22+s4+$0x0], $0xffff  }
0x9f: {  	v4 =	vld.idx.msk [tilespmem:v23+s4+$0x0], $0xffff  }
0xa0: {  	v5 =	vld.idx.msk [tilespmem:v24+s4+$0x0], $0xffff  }
0xa1: {  	v28 =	vld.idx.msk [tilespmem:v25+s4+$0x0], $0xffff;
	v0 =	vmax.f32 v0, v1  }
0xa2: {  	v29 =	vld.idx.msk [tilespmem:v26+s4+$0x0], $0xffff;
	v0 =	vmax.f32 v0, v2  }
0xa3: {  	v30 =	vld.idx.msk [tilespmem:v27+s4+$0x0], $0xffff;
	v0 =	vmax.f32 v0, v3  }
0xa4: {  	v0 =	vmax.f32 v0, v4  }
0xa5: {  	v0 =	vmax.f32 v0, v5  }
0xa6: {  	v0 =	vmax.f32 v0, v28  }
0xa7: {  	v0 =	vmax.f32 v0, v29  }
0xa8: {  	v0 =	vmax.f32 v0, v30  }
0xa9: {  	[tilespmem:$0x14340] =	vst v0  }
0xaa: {  	v0 =	vld [tilespmem:s25+$0x100D0]  }
0xab: {  	v31 =	vld [tilespmem:s25+$0x10750]  }
0xac: {  	v32 =	vld [tilespmem:s25+$0x10DD0]  }
0xad: {  	v33 =	vld [tilespmem:s25+$0x11450]  }
0xae: {  	v34 =	vld [tilespmem:s25+$0x11AD0]  }
0xaf: {  	v35 =	vld [tilespmem:s25+$0x12150]  }
0xb0: {  	v36 =	vld [tilespmem:s25+$0x127D0]  }
0xb1: {  	v37 =	vld [tilespmem:s25+$0x12E50]  }
0xb2: {  	v38 =	vld [tilespmem:s25+$0x134D0]  }
0xb3: {  	v0 =	vld.idx.msk [tilespmem:v0+s4+$0x0], $0xffff  }
0xb4: {  	v1 =	vld.idx.msk [tilespmem:v31+s4+$0x0], $0xffff  }
0xb5: {  	v2 =	vld.idx.msk [tilespmem:v32+s4+$0x0], $0xffff  }
0xb6: {  	v3 =	vld.idx.msk [tilespmem:v33+s4+$0x0], $0xffff  }
0xb7: {  	v4 =	vld.idx.msk [tilespmem:v34+s4+$0x0], $0xffff  }
0xb8: {  	v5 =	vld.idx.msk [tilespmem:v35+s4+$0x0], $0xffff  }
0xb9: {  	v39 =	vld.idx.msk [tilespmem:v36+s4+$0x0], $0xffff;
	v0 =	vmax.f32 v0, v1  }
0xba: {  	v40 =	vld.idx.msk [tilespmem:v37+s4+$0x0], $0xffff;
	v0 =	vmax.f32 v0, v2  }
0xbb: {  	v41 =	vld.idx.msk [tilespmem:v38+s4+$0x0], $0xffff;
	v0 =	vmax.f32 v0, v3  }
0xbc: {  	v0 =	vmax.f32 v0, v4  }
0xbd: {  	v0 =	vmax.f32 v0, v5  }
0xbe: {  	v0 =	vmax.f32 v0, v39  }
0xbf: {  	v0 =	vmax.f32 v0, v40  }
0xc0: {  	v0 =	vmax.f32 v0, v41  }
0xc1: {  	[tilespmem:$0x14350] =	vst v0  }
0xc2: {  	v0 =	vld [tilespmem:s25+$0x100E0]  }
0xc3: {  	v42 =	vld [tilespmem:s25+$0x10760]  }
0xc4: {  	v43 =	vld [tilespmem:s25+$0x10DE0]  }
0xc5: {  	v44 =	vld [tilespmem:s25+$0x11460]  }
0xc6: {  	v45 =	vld [tilespmem:s25+$0x11AE0]  }
0xc7: {  	v46 =	vld [tilespmem:s25+$0x12160]  }
0xc8: {  	v47 =	vld [tilespmem:s25+$0x127E0]  }
0xc9: {  	v48 =	vld [tilespmem:s25+$0x12E60]  }
0xca: {  	v49 =	vld [tilespmem:s25+$0x134E0]  }
0xcb: {  	v0 =	vld.idx.msk [tilespmem:v0+s4+$0x0], $0xffff  }
0xcc: {  	v1 =	vld.idx.msk [tilespmem:v42+s4+$0x0], $0xffff  }
0xcd: {  	v2 =	vld.idx.msk [tilespmem:v43+s4+$0x0], $0xffff  }
0xce: {  	v3 =	vld.idx.msk [tilespmem:v44+s4+$0x0], $0xffff  }
0xcf: {  	v4 =	vld.idx.msk [tilespmem:v45+s4+$0x0], $0xffff  }
0xd0: {  	v5 =	vld.idx.msk [tilespmem:v46+s4+$0x0], $0xffff  }
0xd1: {  	v50 =	vld.idx.msk [tilespmem:v47+s4+$0x0], $0xffff;
	v0 =	vmax.f32 v0, v1  }
0xd2: {  	v51 =	vld.idx.msk [tilespmem:v48+s4+$0x0], $0xffff;
	v0 =	vmax.f32 v0, v2  }
0xd3: {  	v52 =	vld.idx.msk [tilespmem:v49+s4+$0x0], $0xffff;
	v0 =	vmax.f32 v0, v3  }
0xd4: {  	v0 =	vmax.f32 v0, v4  }
0xd5: {  	v0 =	vmax.f32 v0, v5  }
0xd6: {  	v0 =	vmax.f32 v0, v50  }
0xd7: {  	v0 =	vmax.f32 v0, v51  }
0xd8: {  	v0 =	vmax.f32 v0, v52  }
0xd9: {  	[tilespmem:$0x14360] =	vst v0  }
0xda: {  	v0 =	vld [tilespmem:s25+$0x100F0]  }
0xdb: {  	v53 =	vld [tilespmem:s25+$0x10770]  }
0xdc: {  	v54 =	vld [tilespmem:s25+$0x10DF0]  }
0xdd: {  	v55 =	vld [tilespmem:s25+$0x11470]  }
0xde: {  	v56 =	vld [tilespmem:s25+$0x11AF0]  }
0xdf: {  	v57 =	vld [tilespmem:s25+$0x12170]  }
0xe0: {  	v58 =	vld [tilespmem:s25+$0x127F0]  }
0xe1: {  	v59 =	vld [tilespmem:s25+$0x12E70]  }
0xe2: {  	v60 =	vld [tilespmem:s25+$0x134F0]  }
0xe3: {  	v0 =	vld.idx.msk [tilespmem:v0+s4+$0x0], $0xffff  }
0xe4: {  	v1 =	vld.idx.msk [tilespmem:v53+s4+$0x0], $0xffff  }
0xe5: {  	v2 =	vld.idx.msk [tilespmem:v54+s4+$0x0], $0xffff  }
0xe6: {  	v3 =	vld.idx.msk [tilespmem:v55+s4+$0x0], $0xffff  }
0xe7: {  	v4 =	vld.idx.msk [tilespmem:v56+s4+$0x0], $0xffff  }
0xe8: {  	v5 =	vld.idx.msk [tilespmem:v57+s4+$0x0], $0xffff  }
0xe9: {  	v61 =	vld.idx.msk [tilespmem:v58+s4+$0x0], $0xffff;
	v0 =	vmax.f32 v0, v1  }
0xea: {  	v62 =	vld.idx.msk [tilespmem:v59+s4+$0x0], $0xffff;
	v0 =	vmax.f32 v0, v2  }
0xeb: {  	v63 =	vld.idx.msk [tilespmem:v60+s4+$0x0], $0xffff;
	v0 =	vmax.f32 v0, v3  }
0xec: {  	v0 =	vmax.f32 v0, v4  }
0xed: {  	v0 =	vmax.f32 v0, v5  }
0xee: {  	v0 =	vmax.f32 v0, v61  }
0xef: {  	v0 =	vmax.f32 v0, v62  }
0xf0: {  	v0 =	vmax.f32 v0, v63  }
0xf1: {  	s25 =	sadd.s32 $0x13B00, s25;
	[tilespmem:$0x14370] =	vst v0  }
0xf2: {  	[spmem:s1] =	stream.indirect.scatter.add.f32 [tilespmem:s22], [sflag:$0x1], $0x1, s25, s17, $0xb8;
	[tilespmem:$0x19300] =	vst v63  }
0xf3: {  	_ =	swait.ge [sflag:s16], $0x80  }
0xf4: {  	p0 =	sne.s32 s24, $0x1800;
	[sflag:s16] =	ssyncset.done $0x0  }
.Ltmp0:
0xf5: {  	[sflag:s16] =	ssyncadd.s32 $0xFFFFFF80;
	(pc) =	sbr.rel @p0 .LBB2_2-.Ltmp0, $4  }
0xf6: {  	[spmem:s2] =	stream.indirect.scatter.add.f32 [tilespmem:s21], [sflag:$0x1], $0x1, s25, s17, $0xb8;
	[tilespmem:$0x19300] =	vst v63  }
0xf7: {  	_ =	swait.ge [sflag:s16], $0x80  }
0xf8: {  	[sflag:s16] =	ssyncset.done $0x0  }
0xf9: {  	s24 =	sadd.s32 $0x200, s24;
	[sflag:s16] =	ssyncadd.s32 $0xFFFFFF80  }
0xfa: {  	[bflag:$0x0] =	sbarrier.arrive $0xFFFF  }
0xfb: {  	[tilespmem:s15], [sflag:$0x1] =	stream.linear.gather [spmem:s8], $0x1A40, $0x38;
	[tilespmem:$0x19300] =	vst v63  }
0xfc: {  	_ =	swait.ge [sflag:s16], $0x1A40  }
0xfd: {  	[sflag:s16] =	ssyncset.done $0x0  }
0xfe: {  	[sflag:s16] =	ssyncadd.s32 $0xFFFFE5C0  }
0xff: {  	[hbm4b:s12+s4] =	stream.linear.scatter [tilespmem:s15], [sflag:$0x1], $0x1A40, $0x38;
	[tilespmem:$0x19300] =	vst v63  }
0x100: {  	_ =	swait.ge [sflag:s16], $0x1A40  }
0x101: {  	[sflag:s16] =	ssyncset.done $0x0  }
0x102: {  	[sflag:s16] =	ssyncadd.s32 $0xFFFFE5C0  }
0x103: {  	[tilespmem:s15], [sflag:$0x1] =	stream.linear.gather [spmem:s9], $0x1A40, $0x38;
	[tilespmem:$0x19300] =	vst v63  }
0x104: {  	s23 =	sadd.s32 $0x1, s23;
	_ =	swait.ge [sflag:s16], $0x1A40  }
0x105: {  	p0 =	sne.s32 s23, s14;
	[sflag:s16] =	ssyncset.done $0x0  }
.Ltmp1:
0x106: {  	[sflag:s16] =	ssyncadd.s32 $0xFFFFE5C0;
	(pc) =	sbr.rel @p0 .LBB2_1-.Ltmp1, $4  }
0x107: {  	[hbm4b:s13+s4] =	stream.linear.scatter [tilespmem:s15], [sflag:$0x1], $0x1A40, $0x38;
	[tilespmem:$0x19300] =	vst v63  }
0x108: {  	_ =	swait.ge [sflag:s16], $0x1A40  }
0x109: {  	[sflag:s16] =	ssyncset.done $0x0  }
0x10a: {  	[sflag:s16] =	ssyncadd.s32 $0xFFFFE5C0  }
0x10b: {  	_ =	sfence.sel $0x180000  }
0x10c: {  	[bflag:$0x0] =	sbarrier.arrive $0xFFFF  }
0x10d: {  	p0 =	sne.s32 s3, $0x0;
	_ =	strace $0x90000047  }
0x10e: {  	s0 =	sadd.s32 @!p0 $0x100000, s0;
	[bflag:$0x2] =	sbarrier.arrive $0xFFFF  }
0x10f: {  	[sflag:s0] =	ssyncadd.tile.s32 @!p0 $0x1;
	_ =	shalt  }
.Lfunc_end2:
_tile_overlayer_lowered:
.L_overlay_start_2:
0x110: {  	(tag) =	ssettag $0x2  }
0x111: {  	s0 =	rddreg [dreg:$0x0];
	s2 =	stileid.u32  }
0x112: {  	s1 =	rddreg [dreg:$0x1];
	p0 =	sne.s32 s2, $0x0  }
0x113: {  	s3 =	rddreg [dreg:$0x2];
	[bflag:$0x3] =	sbarrier.arrive $0xFFFF;
	s2 =	simm.s32 @!p0 $0x1C01  }
0x114: {  	[timem:s3], [sflag:s2] =	dma.local @!p0 [hbm:s0], s1  }
0x115: {  	s0 =	simm.s32 @!p0 $0x1  }
0x116: {  	_ =	swait.ge @!p0 [sflag:s0], s1  }
0x117: {  	s1 =	ssub.s32 @!p0 $0x0, s1;
	[sflag:s0] =	ssyncset.done @!p0 $0x0  }
0x118: {  	[sflag:s0] =	ssyncadd.s32 @!p0 s1  }
0x119: {  	[bflag:$0x3] =	sbarrier.arrive $0xFFFF  }
0x11a: {  	_ =	shalt  }

</sc_bundles>
